<compile_context>
chip_gen: v7x
topology: tpu7x:2x2x1
jax: 0.10.2.dev20260603
libtpu: 0.0.44.dev20260713+nightly
codegen_flags: <defaults>
</compile_context>

<pallas_src>
import functools

import jax
import jax.numpy as jnp
from jax import lax
from jax.experimental import pallas as pl
from jax.experimental.pallas import tpu as pltpu
from jax.experimental.pallas import tpu_sc as plsc

_B = 16384
_D = 32
_EPS = 1e-5
_V = 1000001
_CH = 128


_VBLK = 16384
_QSZ = _VBLK // 4
_GSTEPS = (_V + _VBLK - 1) // _VBLK
_MROWS = _GSTEPS * _QSZ


def _repack_body(*refs):
    ins = refs[:4]
    outs = refs[4:]
    eye = jnp.eye(_D, dtype=jnp.float32)
    dn = (((0,), (0,)), ((), ()))
    for t_ref, o_ref in zip(ins, outs):
        qs = [lax.dot_general(t_ref[:, _QSZ * q:_QSZ * (q + 1)], eye, dn,
                              preferred_element_type=jnp.float32)
              for q in range(4)]
        o_ref[...] = jnp.concatenate(qs, axis=1)


def _repack(tabs_t):
    return pl.pallas_call(
        _repack_body,
        grid=(_GSTEPS,),
        in_specs=[pl.BlockSpec((_D, _VBLK), lambda i: (0, i))] * 4,
        out_specs=[pl.BlockSpec((_QSZ, 128), lambda i: (i, 0))] * 4,
        out_shape=[jax.ShapeDtypeStruct((_MROWS, 128), jnp.float32)] * 4,
        compiler_params=pltpu.CompilerParams(
            vmem_limit_bytes=100 * 1024 * 1024),
    )(*tabs_t)


def _sc_gather4(user, item, p_ug, p_ig, p_um, p_im):
    info = plsc.get_sparse_core_info()
    nc, ns = info.num_cores, info.num_subcores
    nw = nc * ns
    bpw = _B // nw

    mesh = plsc.VectorSubcoreMesh(core_axis_name="c", subcore_axis_name="s")

    @functools.partial(
        pl.kernel,
        mesh=mesh,
        out_type=[jax.ShapeDtypeStruct((_B, 128), jnp.float32)] * 4,
        scratch_types=[
            pltpu.VMEM((bpw,), jnp.int32),
            pltpu.VMEM((bpw,), jnp.int32),
            pltpu.VMEM((_CH,), jnp.int32),
            pltpu.VMEM((_CH, 128), jnp.float32),
            pltpu.SemaphoreType.DMA,
        ],
        compiler_params=pltpu.CompilerParams(
            use_tc_tiling_on_sc=True, needs_layout_passes=False),
    )
    def k2(user_hbm, item_hbm, p0, p1, p2, p3,
           o0, o1, o2, o3, uidx, iidx, midx, gbuf, sem):
        wid = lax.axis_index("s") * nc + lax.axis_index("c")
        base = wid * bpw
        pltpu.sync_copy(user_hbm.at[pl.ds(base, bpw)], uidx)
        pltpu.sync_copy(item_hbm.at[pl.ds(base, bpw)], iidx)

        def do_table(packed, out, idx_ref):
            def chunk_body(ch, carry):
                ch_off = pl.multiple_of(ch * _CH, _CH)

                def mids_body(g, carry2):
                    goff = pl.multiple_of(g * 16, 16)
                    v = idx_ref[pl.ds(ch_off + goff, 16)]
                    midx[pl.ds(goff, 16)] = ((v >> 14) << 12) + (v & 4095)
                    return carry2

                lax.fori_loop(0, _CH // 16, mids_body, 0)
                pltpu.async_copy(packed.at[midx], gbuf, sem).wait()
                pltpu.sync_copy(gbuf, out.at[pl.ds(base + ch_off, _CH)])
                return carry

            lax.fori_loop(0, bpw // _CH, chunk_body, 0)

        do_table(p0, o0, uidx)
        do_table(p1, o1, iidx)
        do_table(p2, o2, uidx)
        do_table(p3, o3, iidx)

    return k2(user, item, p_ug, p_ig, p_um, p_im)


_SBLK = 2048


def _sel_body(uq_ref, iq_ref, x0, x1, x2, x3, o0, o1, o2, o3):
    qs = (uq_ref[...], iq_ref[...], uq_ref[...], iq_ref[...])
    for x_ref, o_ref, q in zip((x0, x1, x2, x3), (o0, o1, o2, o3), qs):
        x = x_ref[...]
        y = jnp.where(q == 0, x[:, 0:32], 0.0)
        for j in range(1, 4):
            y = y + jnp.where(q == j, x[:, 32 * j:32 * (j + 1)], 0.0)
        o_ref[...] = y


def _lane_select(uq, iq, gathered):
    return pl.pallas_call(
        _sel_body,
        grid=(_B // _SBLK,),
        in_specs=[pl.BlockSpec((_SBLK, 1), lambda i: (i, 0))] * 2
        + [pl.BlockSpec((_SBLK, 128), lambda i: (i, 0))] * 4,
        out_specs=[pl.BlockSpec((_SBLK, _D), lambda i: (i, 0))] * 4,
        out_shape=[jax.ShapeDtypeStruct((_B, _D), jnp.float32)] * 4,
    )(uq, iq, *gathered)


def _tc_body(ug, ig, um, im,
             w0, b0, g0, be0, w1, b1, g1, be1, w2, b2, g2, be2,
             wo_g, wo_m, bo, out):
    x = jnp.concatenate([um[...], im[...]], axis=1)
    for w, b, g, be in ((w0, b0, g0, be0), (w1, b1, g1, be1), (w2, b2, g2, be2)):
        x = jnp.dot(x, w[...], preferred_element_type=jnp.float32) + b[...]
        mean = jnp.mean(x, axis=0, keepdims=True)
        var = jnp.mean((x - mean) ** 2, axis=0, keepdims=True)
        x = (x - mean) * lax.rsqrt(var + _EPS) * g[...] + be[...]
        x = jnp.maximum(x, 0.0)
    gmf = ug[...] * ig[...]
    s = (jnp.dot(gmf, wo_g[...], preferred_element_type=jnp.float32)
         + jnp.dot(x, wo_m[...], preferred_element_type=jnp.float32)
         + bo[...])
    out[...] = 1.0 / (1.0 + jnp.exp(-s))


def _tc_forward(ug, ig, um, im, params):
    return pl.pallas_call(
        _tc_body,
        out_shape=jax.ShapeDtypeStruct((_B, 1), jnp.float32),
        compiler_params=pltpu.CompilerParams(
            vmem_limit_bytes=100 * 1024 * 1024),
    )(ug, ig, um, im, *params)


def kernel(user, item, user_gmf_tab, item_gmf_tab, user_mlp_tab, item_mlp_tab,
           W0, b0, g0, be0, W1, b1, g1, be1, W2, b2, g2, be2, Wo, bo):
    user = user.astype(jnp.int32)
    item = item.astype(jnp.int32)
    packed = _repack((user_gmf_tab.T, item_gmf_tab.T,
                      user_mlp_tab.T, item_mlp_tab.T))
    ug, ig, um, im = _sc_gather4(user, item, *packed)
    params = (
        W0, b0.reshape(1, -1), g0.reshape(1, -1), be0.reshape(1, -1),
        W1, b1.reshape(1, -1), g1.reshape(1, -1), be1.reshape(1, -1),
        W2, b2.reshape(1, -1), g2.reshape(1, -1), be2.reshape(1, -1),
        Wo[:_D], Wo[_D:], bo.reshape(1, 1),
    )
    uq = ((user >> 12) & 3).reshape(_B, 1)
    iq = ((item >> 12) & 3).reshape(_B, 1)
    ug, ig, um, im = _lane_select(uq, iq, (ug, ig, um, im))
    out = _tc_forward(ug, ig, um, im, params)
    return jnp.squeeze(out, axis=-1)

# --- scband reference (transcript-rebuilt; emitter-appended) ---
"""Pipeline reference for scband-ncf-43379169689762 (READ-ONLY COPY).

The authoritative reference and input builder live on the scoring server;
editing this copy changes nothing except your own understanding.
"""

import jax, jax.numpy as jnp
import numpy as np

B = 16384
V = 1000000
D = 32
MLP_LAYERS = [64, 32, 16]
EPS = 1e-5


def _xavier(key, fan_in, fan_out):
    limit = float(np.sqrt(6.0 / (fan_in + fan_out)))
    return jax.random.uniform(key, (fan_in, fan_out), minval=-limit, maxval=limit, dtype=jnp.float32)


def setup_inputs(seed: int = 0) -> dict:
    key = jax.random.key(seed)
    ks = jax.random.split(key, 16)
    user = jax.random.randint(ks[0], (B,), 0, V + 1, dtype=jnp.int64 if jax.config.jax_enable_x64 else jnp.int32)
    item = jax.random.randint(ks[1], (B,), 0, V + 1, dtype=jnp.int64 if jax.config.jax_enable_x64 else jnp.int32)

    def emb_table(k):
        t = 0.01 * jax.random.normal(k, (V + 1, D), dtype=jnp.float32)
        return t.at[0].set(0.0)  # padding_idx=0

    inp = {
        'user': user,
        'item': item,
        'user_gmf_tab': emb_table(ks[2]),
        'item_gmf_tab': emb_table(ks[3]),
        'user_mlp_tab': emb_table(ks[4]),
        'item_mlp_tab': emb_table(ks[5]),
    }
    in_size = 2 * D
    kidx = 6
    for li, size in enumerate(MLP_LAYERS):
        inp[f'W{li}'] = _xavier(ks[kidx], in_size, size)
        inp[f'b{li}'] = jnp.zeros((size,), dtype=jnp.float32)
        inp[f'g{li}'] = jnp.ones((size,), dtype=jnp.float32)
        inp[f'be{li}'] = jnp.zeros((size,), dtype=jnp.float32)
        in_size = size
        kidx += 1
    inp['Wo'] = _xavier(ks[kidx], D + MLP_LAYERS[-1], 1)
    inp['bo'] = jnp.zeros((1,), dtype=jnp.float32)
    return inp


def reference(user, item, user_gmf_tab, item_gmf_tab, user_mlp_tab, item_mlp_tab,
              W0, b0, g0, be0, W1, b1, g1, be1, W2, b2, g2, be2, Wo, bo):
    # GMF branch: element-wise product of embeddings
    u_gmf = jnp.take(user_gmf_tab, user, axis=0)
    i_gmf = jnp.take(item_gmf_tab, item, axis=0)
    gmf_out = u_gmf * i_gmf
    # MLP branch
    u_mlp = jnp.take(user_mlp_tab, user, axis=0)
    i_mlp = jnp.take(item_mlp_tab, item, axis=0)
    x = jnp.concatenate([u_mlp, i_mlp], axis=-1)
    for (W, b, g, be) in [(W0, b0, g0, be0), (W1, b1, g1, be1), (W2, b2, g2, be2)]:
        x = x @ W + b
        mean = jnp.mean(x, axis=0)
        var = jnp.var(x, axis=0)
        x = (x - mean) / jnp.sqrt(var + EPS) * g + be  # BatchNorm1d (batch stats, train-mode)
        x = jax.nn.relu(x)  # dropout inactive (deterministic reference)
    combined = jnp.concatenate([gmf_out, x], axis=-1)
    out = jax.nn.sigmoid(combined @ Wo + bo)
    return jnp.squeeze(out, axis=-1)

if __name__ == "__main__":
    import jax
    _d = setup_inputs()
    print(jax.jit(kernel)(*tuple(_d.values())))

</pallas_src>

<mosaic_0001>
#map = affine_map<(d0, d1) -> (0)>
#map1 = affine_map<(d0, d1) -> (0, 0)>
module attributes {stable_mosaic.version = 14 : i64} {
  func.func @k2(%arg0: i32, %arg1: i32, %arg2: memref<16384xi32, #tpu.memory_space<hbm>>, %arg3: memref<16384xi32, #tpu.memory_space<hbm>>, %arg4: memref<253952x128xf32, #tpu.memory_space<hbm>>, %arg5: memref<253952x128xf32, #tpu.memory_space<hbm>>, %arg6: memref<253952x128xf32, #tpu.memory_space<hbm>>, %arg7: memref<253952x128xf32, #tpu.memory_space<hbm>>, %arg8: memref<16384x128xf32, #tpu.memory_space<hbm>>, %arg9: memref<16384x128xf32, #tpu.memory_space<hbm>>, %arg10: memref<16384x128xf32, #tpu.memory_space<hbm>>, %arg11: memref<16384x128xf32, #tpu.memory_space<hbm>>, %arg12: memref<512xi32, #tpu.memory_space<vmem>>, %arg13: memref<512xi32, #tpu.memory_space<vmem>>, %arg14: memref<128xi32, #tpu.memory_space<vmem>>, %arg15: memref<128x128xf32, #tpu.memory_space<vmem>>, %arg16: memref<!tpu.dma_semaphore, #tpu.memory_space<semaphore_mem>>) attributes {dimension_semantics = [#tpu.dimension_semantics<core_parallel>, #tpu.dimension_semantics<subcore_parallel>], iteration_bounds = array<i64: 2, 16>, scalar_prefetch = 0 : i64, scratch_operands = 5 : i64, tpu.core_type = #tpu.core_type<sc_vector_subcore>, window_params = [{transform_indices = #map}, {transform_indices = #map}, {transform_indices = #map1}, {transform_indices = #map1}, {transform_indices = #map1}, {transform_indices = #map1}, {transform_indices = #map1}, {transform_indices = #map1}, {transform_indices = #map1}, {transform_indices = #map1}]} {
    %mul3A = arith.constant 2 : i32
    %mul3A_0 = arith.muli %arg1, %mul3A : i32
    %add3A = arith.addi %mul3A_0, %arg0 : i32
    %mul3A_1 = arith.constant 512 : i32
    %mul3A_2 = arith.muli %add3A, %mul3A_1 : i32
    "tpu.region"() ({
      %run_scoped3A = tpu.sem_alloc : memref<!tpu.dma_semaphore, #tpu.memory_space<semaphore_mem>>
      %dma_start3A = tpu.memref_slice %arg2[%mul3A_2] : memref<16384xi32, #tpu.memory_space<hbm>> -> memref<512xi32, #tpu.memory_space<hbm>>
      %dma_start3A_26 = tpu.memref_slice %arg2[%mul3A_2] : memref<16384xi32, #tpu.memory_space<hbm>> -> memref<512xi32, #tpu.memory_space<hbm>>
      tpu.enqueue_dma source(%dma_start3A_26 : memref<512xi32, #tpu.memory_space<hbm>>) target(%arg12 : memref<512xi32, #tpu.memory_space<vmem>>) target_semaphore(%run_scoped3A : memref<!tpu.dma_semaphore, #tpu.memory_space<semaphore_mem>>)
      %dma_wait3A = tpu.memref_slice %arg2[%mul3A_2] : memref<16384xi32, #tpu.memory_space<hbm>> -> memref<512xi32, #tpu.memory_space<hbm>>
      %dma_wait3A_27 = tpu.memref_slice %arg2[%mul3A_2] : memref<16384xi32, #tpu.memory_space<hbm>> -> memref<512xi32, #tpu.memory_space<hbm>>
      tpu.wait_dma2 semaphore(%run_scoped3A : memref<!tpu.dma_semaphore, #tpu.memory_space<semaphore_mem>>) src(%dma_wait3A_27 : memref<512xi32, #tpu.memory_space<hbm>>) dst(%arg12 : memref<512xi32, #tpu.memory_space<vmem>>)
      tpu.yield
    }) : () -> ()
    "tpu.region"() ({
      %run_scoped3A = tpu.sem_alloc : memref<!tpu.dma_semaphore, #tpu.memory_space<semaphore_mem>>
      %dma_start3A = tpu.memref_slice %arg3[%mul3A_2] : memref<16384xi32, #tpu.memory_space<hbm>> -> memref<512xi32, #tpu.memory_space<hbm>>
      %dma_start3A_26 = tpu.memref_slice %arg3[%mul3A_2] : memref<16384xi32, #tpu.memory_space<hbm>> -> memref<512xi32, #tpu.memory_space<hbm>>
      tpu.enqueue_dma source(%dma_start3A_26 : memref<512xi32, #tpu.memory_space<hbm>>) target(%arg13 : memref<512xi32, #tpu.memory_space<vmem>>) target_semaphore(%run_scoped3A : memref<!tpu.dma_semaphore, #tpu.memory_space<semaphore_mem>>)
      %dma_wait3A = tpu.memref_slice %arg3[%mul3A_2] : memref<16384xi32, #tpu.memory_space<hbm>> -> memref<512xi32, #tpu.memory_space<hbm>>
      %dma_wait3A_27 = tpu.memref_slice %arg3[%mul3A_2] : memref<16384xi32, #tpu.memory_space<hbm>> -> memref<512xi32, #tpu.memory_space<hbm>>
      tpu.wait_dma2 semaphore(%run_scoped3A : memref<!tpu.dma_semaphore, #tpu.memory_space<semaphore_mem>>) src(%dma_wait3A_27 : memref<512xi32, #tpu.memory_space<hbm>>) dst(%arg13 : memref<512xi32, #tpu.memory_space<vmem>>)
      tpu.yield
    }) : () -> ()
    %scan3A = arith.constant 0 : i32
    %scan3A_3 = arith.constant 0 : i32
    %scan3A_4 = arith.constant 4 : i32
    %scan3A_5 = arith.addi %scan3A_3, %scan3A_4 : i32
    %scan3A_6 = arith.constant 1 : i32
    scf.for %scan3A_26 = %scan3A_3 to %scan3A_5 step %scan3A_6  : i32 {
      %mul3A_27 = arith.constant 128 : i32
      %mul3A_28 = arith.muli %scan3A_26, %mul3A_27 : i32
      %multiple_of3A = tpu.assume_multiple %mul3A_28, 128 : i32
      %scan3A_29 = arith.constant 0 : i32
      %scan3A_30 = arith.constant 0 : i32
      %scan3A_31 = arith.constant 8 : i32
      %scan3A_32 = arith.addi %scan3A_30, %scan3A_31 : i32
      %scan3A_33 = arith.constant 1 : i32
      scf.for %scan3A_40 = %scan3A_30 to %scan3A_32 step %scan3A_33  : i32 {
        %mul3A_41 = arith.constant 16 : i32
        %mul3A_42 = arith.muli %scan3A_40, %mul3A_41 : i32
        %multiple_of3A_43 = tpu.assume_multiple %mul3A_42, 16 : i32
        %add3A_44 = arith.addi %multiple_of3A, %multiple_of3A_43 : i32
        %get3A = arith.index_cast %add3A_44 : i32 to index
        %get3A_45 = tpu.vector_load %arg12[%get3A] {strides = array<i32>} : memref<512xi32, #tpu.memory_space<vmem>>, vector<16xi32>,
        %shift_right_arithmetic3A = arith.constant 14 : i32
        %shift_right_arithmetic3A_46 = vector.broadcast %shift_right_arithmetic3A : i32 to vector<16xi32>
        %shift_right_arithmetic3A_47 = arith.shrsi %get3A_45, %shift_right_arithmetic3A_46 : vector<16xi32>
        %shift_left3A = arith.constant 12 : i32
        %shift_left3A_48 = vector.broadcast %shift_left3A : i32 to vector<16xi32>
        %shift_left3A_49 = arith.shli %shift_right_arithmetic3A_47, %shift_left3A_48 : vector<16xi32>
        %and3A = arith.constant 4095 : i32
        %and3A_50 = vector.broadcast %and3A : i32 to vector<16xi32>
        %and3A_51 = arith.andi %get3A_45, %and3A_50 : vector<16xi32>
        %add3A_52 = arith.addi %shift_left3A_49, %and3A_51 : vector<16xi32>
        %swap3A = arith.index_cast %multiple_of3A_43 : i32 to index
        %swap3A_53 = tpu.vector_load %arg14[%swap3A] {strides = array<i32>} : memref<128xi32, #tpu.memory_space<vmem>>, vector<16xi32>,
        tpu.vector_store %arg14[%swap3A], %add3A_52 {strides = array<i32>} : memref<128xi32, #tpu.memory_space<vmem>>, vector<16xi32>,
      }
      %scan3A_34 = arith.constant 8 : i32
      %dma_start3A = arith.constant 0 : i32
      %dma_start3A_35 = arith.constant 0 : i32
      %dma_start3A_36 = tpu.memref_slice %arg4[%dma_start3A, %dma_start3A_35] : memref<253952x128xf32, #tpu.memory_space<hbm>> -> memref<253952x128xf32, #tpu.memory_space<hbm>>
      tpu.enqueue_indirect_dma source(%dma_start3A_36 : memref<253952x128xf32, #tpu.memory_space<hbm>>) target(%arg15 : memref<128x128xf32, #tpu.memory_space<vmem>>) offsets(%arg14 : memref<128xi32, #tpu.memory_space<vmem>>) semaphore(%arg16 : memref<!tpu.dma_semaphore, #tpu.memory_space<semaphore_mem>>)
      %dma_wait3A = arith.constant 0 : i32
      %dma_wait3A_37 = arith.constant 0 : i32
      %dma_wait3A_38 = tpu.memref_slice %arg4[%dma_wait3A, %dma_wait3A_37] : memref<253952x128xf32, #tpu.memory_space<hbm>> -> memref<253952x128xf32, #tpu.memory_space<hbm>>
      tpu.wait_indirect_dma semaphore(%arg16 : memref<!tpu.dma_semaphore, #tpu.memory_space<semaphore_mem>>) src(%dma_wait3A_38 : memref<253952x128xf32, #tpu.memory_space<hbm>>) dst(%arg15 : memref<128x128xf32, #tpu.memory_space<vmem>>)
      %add3A_39 = arith.addi %mul3A_2, %multiple_of3A : i32
      "tpu.region"() ({
        %run_scoped3A = tpu.sem_alloc : memref<!tpu.dma_semaphore, #tpu.memory_space<semaphore_mem>>
        %dma_start3A_40 = arith.constant 0 : i32
        %dma_start3A_41 = tpu.memref_slice %arg8[%add3A_39, %dma_start3A_40] : memref<16384x128xf32, #tpu.memory_space<hbm>> -> memref<128x128xf32, #tpu.memory_space<hbm>>
        %dma_start3A_42 = arith.constant 0 : i32
        %dma_start3A_43 = tpu.memref_slice %arg8[%add3A_39, %dma_start3A_42] : memref<16384x128xf32, #tpu.memory_space<hbm>> -> memref<128x128xf32, #tpu.memory_space<hbm>>
        tpu.enqueue_dma source(%arg15 : memref<128x128xf32, #tpu.memory_space<vmem>>) target(%dma_start3A_43 : memref<128x128xf32, #tpu.memory_space<hbm>>) target_semaphore(%run_scoped3A : memref<!tpu.dma_semaphore, #tpu.memory_space<semaphore_mem>>)
        %dma_wait3A_44 = arith.constant 0 : i32
        %dma_wait3A_45 = tpu.memref_slice %arg8[%add3A_39, %dma_wait3A_44] : memref<16384x128xf32, #tpu.memory_space<hbm>> -> memref<128x128xf32, #tpu.memory_space<hbm>>
        %dma_wait3A_46 = arith.constant 0 : i32
        %dma_wait3A_47 = tpu.memref_slice %arg8[%add3A_39, %dma_wait3A_46] : memref<16384x128xf32, #tpu.memory_space<hbm>> -> memref<128x128xf32, #tpu.memory_space<hbm>>
        tpu.wait_dma2 semaphore(%run_scoped3A : memref<!tpu.dma_semaphore, #tpu.memory_space<semaphore_mem>>) src(%arg15 : memref<128x128xf32, #tpu.memory_space<vmem>>) dst(%dma_wait3A_47 : memref<128x128xf32, #tpu.memory_space<hbm>>)
        tpu.yield
      }) : () -> ()
    }
    %scan3A_7 = arith.constant 4 : i32
    %scan3A_8 = arith.constant 0 : i32
    %scan3A_9 = arith.constant 0 : i32
    %scan3A_10 = arith.constant 4 : i32
    %scan3A_11 = arith.addi %scan3A_9, %scan3A_10 : i32
    %scan3A_12 = arith.constant 1 : i32
    scf.for %scan3A_26 = %scan3A_9 to %scan3A_11 step %scan3A_12  : i32 {
      %mul3A_27 = arith.constant 128 : i32
      %mul3A_28 = arith.muli %scan3A_26, %mul3A_27 : i32
      %multiple_of3A = tpu.assume_multiple %mul3A_28, 128 : i32
      %scan3A_29 = arith.constant 0 : i32
      %scan3A_30 = arith.constant 0 : i32
      %scan3A_31 = arith.constant 8 : i32
      %scan3A_32 = arith.addi %scan3A_30, %scan3A_31 : i32
      %scan3A_33 = arith.constant 1 : i32
      scf.for %scan3A_40 = %scan3A_30 to %scan3A_32 step %scan3A_33  : i32 {
        %mul3A_41 = arith.constant 16 : i32
        %mul3A_42 = arith.muli %scan3A_40, %mul3A_41 : i32
        %multiple_of3A_43 = tpu.assume_multiple %mul3A_42, 16 : i32
        %add3A_44 = arith.addi %multiple_of3A, %multiple_of3A_43 : i32
        %get3A = arith.index_cast %add3A_44 : i32 to index
        %get3A_45 = tpu.vector_load %arg13[%get3A] {strides = array<i32>} : memref<512xi32, #tpu.memory_space<vmem>>, vector<16xi32>,
        %shift_right_arithmetic3A = arith.constant 14 : i32
        %shift_right_arithmetic3A_46 = vector.broadcast %shift_right_arithmetic3A : i32 to vector<16xi32>
        %shift_right_arithmetic3A_47 = arith.shrsi %get3A_45, %shift_right_arithmetic3A_46 : vector<16xi32>
        %shift_left3A = arith.constant 12 : i32
        %shift_left3A_48 = vector.broadcast %shift_left3A : i32 to vector<16xi32>
        %shift_left3A_49 = arith.shli %shift_right_arithmetic3A_47, %shift_left3A_48 : vector<16xi32>
        %and3A = arith.constant 4095 : i32
        %and3A_50 = vector.broadcast %and3A : i32 to vector<16xi32>
        %and3A_51 = arith.andi %get3A_45, %and3A_50 : vector<16xi32>
        %add3A_52 = arith.addi %shift_left3A_49, %and3A_51 : vector<16xi32>
        %swap3A = arith.index_cast %multiple_of3A_43 : i32 to index
        %swap3A_53 = tpu.vector_load %arg14[%swap3A] {strides = array<i32>} : memref<128xi32, #tpu.memory_space<vmem>>, vector<16xi32>,
        tpu.vector_store %arg14[%swap3A], %add3A_52 {strides = array<i32>} : memref<128xi32, #tpu.memory_space<vmem>>, vector<16xi32>,
      }
      %scan3A_34 = arith.constant 8 : i32
      %dma_start3A = arith.constant 0 : i32
      %dma_start3A_35 = arith.constant 0 : i32
      %dma_start3A_36 = tpu.memref_slice %arg5[%dma_start3A, %dma_start3A_35] : memref<253952x128xf32, #tpu.memory_space<hbm>> -> memref<253952x128xf32, #tpu.memory_space<hbm>>
      tpu.enqueue_indirect_dma source(%dma_start3A_36 : memref<253952x128xf32, #tpu.memory_space<hbm>>) target(%arg15 : memref<128x128xf32, #tpu.memory_space<vmem>>) offsets(%arg14 : memref<128xi32, #tpu.memory_space<vmem>>) semaphore(%arg16 : memref<!tpu.dma_semaphore, #tpu.memory_space<semaphore_mem>>)
      %dma_wait3A = arith.constant 0 : i32
      %dma_wait3A_37 = arith.constant 0 : i32
      %dma_wait3A_38 = tpu.memref_slice %arg5[%dma_wait3A, %dma_wait3A_37] : memref<253952x128xf32, #tpu.memory_space<hbm>> -> memref<253952x128xf32, #tpu.memory_space<hbm>>
      tpu.wait_indirect_dma semaphore(%arg16 : memref<!tpu.dma_semaphore, #tpu.memory_space<semaphore_mem>>) src(%dma_wait3A_38 : memref<253952x128xf32, #tpu.memory_space<hbm>>) dst(%arg15 : memref<128x128xf32, #tpu.memory_space<vmem>>)
      %add3A_39 = arith.addi %mul3A_2, %multiple_of3A : i32
      "tpu.region"() ({
        %run_scoped3A = tpu.sem_alloc : memref<!tpu.dma_semaphore, #tpu.memory_space<semaphore_mem>>
        %dma_start3A_40 = arith.constant 0 : i32
        %dma_start3A_41 = tpu.memref_slice %arg9[%add3A_39, %dma_start3A_40] : memref<16384x128xf32, #tpu.memory_space<hbm>> -> memref<128x128xf32, #tpu.memory_space<hbm>>
        %dma_start3A_42 = arith.constant 0 : i32
        %dma_start3A_43 = tpu.memref_slice %arg9[%add3A_39, %dma_start3A_42] : memref<16384x128xf32, #tpu.memory_space<hbm>> -> memref<128x128xf32, #tpu.memory_space<hbm>>
        tpu.enqueue_dma source(%arg15 : memref<128x128xf32, #tpu.memory_space<vmem>>) target(%dma_start3A_43 : memref<128x128xf32, #tpu.memory_space<hbm>>) target_semaphore(%run_scoped3A : memref<!tpu.dma_semaphore, #tpu.memory_space<semaphore_mem>>)
        %dma_wait3A_44 = arith.constant 0 : i32
        %dma_wait3A_45 = tpu.memref_slice %arg9[%add3A_39, %dma_wait3A_44] : memref<16384x128xf32, #tpu.memory_space<hbm>> -> memref<128x128xf32, #tpu.memory_space<hbm>>
        %dma_wait3A_46 = arith.constant 0 : i32
        %dma_wait3A_47 = tpu.memref_slice %arg9[%add3A_39, %dma_wait3A_46] : memref<16384x128xf32, #tpu.memory_space<hbm>> -> memref<128x128xf32, #tpu.memory_space<hbm>>
        tpu.wait_dma2 semaphore(%run_scoped3A : memref<!tpu.dma_semaphore, #tpu.memory_space<semaphore_mem>>) src(%arg15 : memref<128x128xf32, #tpu.memory_space<vmem>>) dst(%dma_wait3A_47 : memref<128x128xf32, #tpu.memory_space<hbm>>)
        tpu.yield
      }) : () -> ()
    }
    %scan3A_13 = arith.constant 4 : i32
    %scan3A_14 = arith.constant 0 : i32
    %scan3A_15 = arith.constant 0 : i32
    %scan3A_16 = arith.constant 4 : i32
    %scan3A_17 = arith.addi %scan3A_15, %scan3A_16 : i32
    %scan3A_18 = arith.constant 1 : i32
    scf.for %scan3A_26 = %scan3A_15 to %scan3A_17 step %scan3A_18  : i32 {
      %mul3A_27 = arith.constant 128 : i32
      %mul3A_28 = arith.muli %scan3A_26, %mul3A_27 : i32
      %multiple_of3A = tpu.assume_multiple %mul3A_28, 128 : i32
      %scan3A_29 = arith.constant 0 : i32
      %scan3A_30 = arith.constant 0 : i32
      %scan3A_31 = arith.constant 8 : i32
      %scan3A_32 = arith.addi %scan3A_30, %scan3A_31 : i32
      %scan3A_33 = arith.constant 1 : i32
      scf.for %scan3A_40 = %scan3A_30 to %scan3A_32 step %scan3A_33  : i32 {
        %mul3A_41 = arith.constant 16 : i32
        %mul3A_42 = arith.muli %scan3A_40, %mul3A_41 : i32
        %multiple_of3A_43 = tpu.assume_multiple %mul3A_42, 16 : i32
        %add3A_44 = arith.addi %multiple_of3A, %multiple_of3A_43 : i32
        %get3A = arith.index_cast %add3A_44 : i32 to index
        %get3A_45 = tpu.vector_load %arg12[%get3A] {strides = array<i32>} : memref<512xi32, #tpu.memory_space<vmem>>, vector<16xi32>,
        %shift_right_arithmetic3A = arith.constant 14 : i32
        %shift_right_arithmetic3A_46 = vector.broadcast %shift_right_arithmetic3A : i32 to vector<16xi32>
        %shift_right_arithmetic3A_47 = arith.shrsi %get3A_45, %shift_right_arithmetic3A_46 : vector<16xi32>
        %shift_left3A = arith.constant 12 : i32
        %shift_left3A_48 = vector.broadcast %shift_left3A : i32 to vector<16xi32>
        %shift_left3A_49 = arith.shli %shift_right_arithmetic3A_47, %shift_left3A_48 : vector<16xi32>
        %and3A = arith.constant 4095 : i32
        %and3A_50 = vector.broadcast %and3A : i32 to vector<16xi32>
        %and3A_51 = arith.andi %get3A_45, %and3A_50 : vector<16xi32>
        %add3A_52 = arith.addi %shift_left3A_49, %and3A_51 : vector<16xi32>
        %swap3A = arith.index_cast %multiple_of3A_43 : i32 to index
        %swap3A_53 = tpu.vector_load %arg14[%swap3A] {strides = array<i32>} : memref<128xi32, #tpu.memory_space<vmem>>, vector<16xi32>,
        tpu.vector_store %arg14[%swap3A], %add3A_52 {strides = array<i32>} : memref<128xi32, #tpu.memory_space<vmem>>, vector<16xi32>,
      }
      %scan3A_34 = arith.constant 8 : i32
      %dma_start3A = arith.constant 0 : i32
      %dma_start3A_35 = arith.constant 0 : i32
      %dma_start3A_36 = tpu.memref_slice %arg6[%dma_start3A, %dma_start3A_35] : memref<253952x128xf32, #tpu.memory_space<hbm>> -> memref<253952x128xf32, #tpu.memory_space<hbm>>
      tpu.enqueue_indirect_dma source(%dma_start3A_36 : memref<253952x128xf32, #tpu.memory_space<hbm>>) target(%arg15 : memref<128x128xf32, #tpu.memory_space<vmem>>) offsets(%arg14 : memref<128xi32, #tpu.memory_space<vmem>>) semaphore(%arg16 : memref<!tpu.dma_semaphore, #tpu.memory_space<semaphore_mem>>)
      %dma_wait3A = arith.constant 0 : i32
      %dma_wait3A_37 = arith.constant 0 : i32
      %dma_wait3A_38 = tpu.memref_slice %arg6[%dma_wait3A, %dma_wait3A_37] : memref<253952x128xf32, #tpu.memory_space<hbm>> -> memref<253952x128xf32, #tpu.memory_space<hbm>>
      tpu.wait_indirect_dma semaphore(%arg16 : memref<!tpu.dma_semaphore, #tpu.memory_space<semaphore_mem>>) src(%dma_wait3A_38 : memref<253952x128xf32, #tpu.memory_space<hbm>>) dst(%arg15 : memref<128x128xf32, #tpu.memory_space<vmem>>)
      %add3A_39 = arith.addi %mul3A_2, %multiple_of3A : i32
      "tpu.region"() ({
        %run_scoped3A = tpu.sem_alloc : memref<!tpu.dma_semaphore, #tpu.memory_space<semaphore_mem>>
        %dma_start3A_40 = arith.constant 0 : i32
        %dma_start3A_41 = tpu.memref_slice %arg10[%add3A_39, %dma_start3A_40] : memref<16384x128xf32, #tpu.memory_space<hbm>> -> memref<128x128xf32, #tpu.memory_space<hbm>>
        %dma_start3A_42 = arith.constant 0 : i32
        %dma_start3A_43 = tpu.memref_slice %arg10[%add3A_39, %dma_start3A_42] : memref<16384x128xf32, #tpu.memory_space<hbm>> -> memref<128x128xf32, #tpu.memory_space<hbm>>
        tpu.enqueue_dma source(%arg15 : memref<128x128xf32, #tpu.memory_space<vmem>>) target(%dma_start3A_43 : memref<128x128xf32, #tpu.memory_space<hbm>>) target_semaphore(%run_scoped3A : memref<!tpu.dma_semaphore, #tpu.memory_space<semaphore_mem>>)
        %dma_wait3A_44 = arith.constant 0 : i32
        %dma_wait3A_45 = tpu.memref_slice %arg10[%add3A_39, %dma_wait3A_44] : memref<16384x128xf32, #tpu.memory_space<hbm>> -> memref<128x128xf32, #tpu.memory_space<hbm>>
        %dma_wait3A_46 = arith.constant 0 : i32
        %dma_wait3A_47 = tpu.memref_slice %arg10[%add3A_39, %dma_wait3A_46] : memref<16384x128xf32, #tpu.memory_space<hbm>> -> memref<128x128xf32, #tpu.memory_space<hbm>>
        tpu.wait_dma2 semaphore(%run_scoped3A : memref<!tpu.dma_semaphore, #tpu.memory_space<semaphore_mem>>) src(%arg15 : memref<128x128xf32, #tpu.memory_space<vmem>>) dst(%dma_wait3A_47 : memref<128x128xf32, #tpu.memory_space<hbm>>)
        tpu.yield
      }) : () -> ()
    }
    %scan3A_19 = arith.constant 4 : i32
    %scan3A_20 = arith.constant 0 : i32
    %scan3A_21 = arith.constant 0 : i32
    %scan3A_22 = arith.constant 4 : i32
    %scan3A_23 = arith.addi %scan3A_21, %scan3A_22 : i32
    %scan3A_24 = arith.constant 1 : i32
    scf.for %scan3A_26 = %scan3A_21 to %scan3A_23 step %scan3A_24  : i32 {
      %mul3A_27 = arith.constant 128 : i32
      %mul3A_28 = arith.muli %scan3A_26, %mul3A_27 : i32
      %multiple_of3A = tpu.assume_multiple %mul3A_28, 128 : i32
      %scan3A_29 = arith.constant 0 : i32
      %scan3A_30 = arith.constant 0 : i32
      %scan3A_31 = arith.constant 8 : i32
      %scan3A_32 = arith.addi %scan3A_30, %scan3A_31 : i32
      %scan3A_33 = arith.constant 1 : i32
      scf.for %scan3A_40 = %scan3A_30 to %scan3A_32 step %scan3A_33  : i32 {
        %mul3A_41 = arith.constant 16 : i32
        %mul3A_42 = arith.muli %scan3A_40, %mul3A_41 : i32
        %multiple_of3A_43 = tpu.assume_multiple %mul3A_42, 16 : i32
        %add3A_44 = arith.addi %multiple_of3A, %multiple_of3A_43 : i32
        %get3A = arith.index_cast %add3A_44 : i32 to index
        %get3A_45 = tpu.vector_load %arg13[%get3A] {strides = array<i32>} : memref<512xi32, #tpu.memory_space<vmem>>, vector<16xi32>,
        %shift_right_arithmetic3A = arith.constant 14 : i32
        %shift_right_arithmetic3A_46 = vector.broadcast %shift_right_arithmetic3A : i32 to vector<16xi32>
        %shift_right_arithmetic3A_47 = arith.shrsi %get3A_45, %shift_right_arithmetic3A_46 : vector<16xi32>
        %shift_left3A = arith.constant 12 : i32
        %shift_left3A_48 = vector.broadcast %shift_left3A : i32 to vector<16xi32>
        %shift_left3A_49 = arith.shli %shift_right_arithmetic3A_47, %shift_left3A_48 : vector<16xi32>
        %and3A = arith.constant 4095 : i32
        %and3A_50 = vector.broadcast %and3A : i32 to vector<16xi32>
        %and3A_51 = arith.andi %get3A_45, %and3A_50 : vector<16xi32>
        %add3A_52 = arith.addi %shift_left3A_49, %and3A_51 : vector<16xi32>
        %swap3A = arith.index_cast %multiple_of3A_43 : i32 to index
        %swap3A_53 = tpu.vector_load %arg14[%swap3A] {strides = array<i32>} : memref<128xi32, #tpu.memory_space<vmem>>, vector<16xi32>,
        tpu.vector_store %arg14[%swap3A], %add3A_52 {strides = array<i32>} : memref<128xi32, #tpu.memory_space<vmem>>, vector<16xi32>,
      }
      %scan3A_34 = arith.constant 8 : i32
      %dma_start3A = arith.constant 0 : i32
      %dma_start3A_35 = arith.constant 0 : i32
      %dma_start3A_36 = tpu.memref_slice %arg7[%dma_start3A, %dma_start3A_35] : memref<253952x128xf32, #tpu.memory_space<hbm>> -> memref<253952x128xf32, #tpu.memory_space<hbm>>
      tpu.enqueue_indirect_dma source(%dma_start3A_36 : memref<253952x128xf32, #tpu.memory_space<hbm>>) target(%arg15 : memref<128x128xf32, #tpu.memory_space<vmem>>) offsets(%arg14 : memref<128xi32, #tpu.memory_space<vmem>>) semaphore(%arg16 : memref<!tpu.dma_semaphore, #tpu.memory_space<semaphore_mem>>)
      %dma_wait3A = arith.constant 0 : i32
      %dma_wait3A_37 = arith.constant 0 : i32
      %dma_wait3A_38 = tpu.memref_slice %arg7[%dma_wait3A, %dma_wait3A_37] : memref<253952x128xf32, #tpu.memory_space<hbm>> -> memref<253952x128xf32, #tpu.memory_space<hbm>>
      tpu.wait_indirect_dma semaphore(%arg16 : memref<!tpu.dma_semaphore, #tpu.memory_space<semaphore_mem>>) src(%dma_wait3A_38 : memref<253952x128xf32, #tpu.memory_space<hbm>>) dst(%arg15 : memref<128x128xf32, #tpu.memory_space<vmem>>)
      %add3A_39 = arith.addi %mul3A_2, %multiple_of3A : i32
      "tpu.region"() ({
        %run_scoped3A = tpu.sem_alloc : memref<!tpu.dma_semaphore, #tpu.memory_space<semaphore_mem>>
        %dma_start3A_40 = arith.constant 0 : i32
        %dma_start3A_41 = tpu.memref_slice %arg11[%add3A_39, %dma_start3A_40] : memref<16384x128xf32, #tpu.memory_space<hbm>> -> memref<128x128xf32, #tpu.memory_space<hbm>>
        %dma_start3A_42 = arith.constant 0 : i32
        %dma_start3A_43 = tpu.memref_slice %arg11[%add3A_39, %dma_start3A_42] : memref<16384x128xf32, #tpu.memory_space<hbm>> -> memref<128x128xf32, #tpu.memory_space<hbm>>
        tpu.enqueue_dma source(%arg15 : memref<128x128xf32, #tpu.memory_space<vmem>>) target(%dma_start3A_43 : memref<128x128xf32, #tpu.memory_space<hbm>>) target_semaphore(%run_scoped3A : memref<!tpu.dma_semaphore, #tpu.memory_space<semaphore_mem>>)
        %dma_wait3A_44 = arith.constant 0 : i32
        %dma_wait3A_45 = tpu.memref_slice %arg11[%add3A_39, %dma_wait3A_44] : memref<16384x128xf32, #tpu.memory_space<hbm>> -> memref<128x128xf32, #tpu.memory_space<hbm>>
        %dma_wait3A_46 = arith.constant 0 : i32
        %dma_wait3A_47 = tpu.memref_slice %arg11[%add3A_39, %dma_wait3A_46] : memref<16384x128xf32, #tpu.memory_space<hbm>> -> memref<128x128xf32, #tpu.memory_space<hbm>>
        tpu.wait_dma2 semaphore(%run_scoped3A : memref<!tpu.dma_semaphore, #tpu.memory_space<semaphore_mem>>) src(%arg15 : memref<128x128xf32, #tpu.memory_space<vmem>>) dst(%dma_wait3A_47 : memref<128x128xf32, #tpu.memory_space<hbm>>)
        tpu.yield
      }) : () -> ()
    }
    %scan3A_25 = arith.constant 4 : i32
    return
  }
}

module attributes {stable_mosaic.version = 14 : i64} {
  func.func @_repack_body(%arg0: i32, %arg1: memref<32x16384xf32, #tpu.memory_space<vmem>>, %arg2: memref<32x16384xf32, #tpu.memory_space<vmem>>, %arg3: memref<32x16384xf32, #tpu.memory_space<vmem>>, %arg4: memref<32x16384xf32, #tpu.memory_space<vmem>>, %arg5: memref<4096x128xf32, #tpu.memory_space<vmem>>, %arg6: memref<4096x128xf32, #tpu.memory_space<vmem>>, %arg7: memref<4096x128xf32, #tpu.memory_space<vmem>>, %arg8: memref<4096x128xf32, #tpu.memory_space<vmem>>) attributes {dimension_semantics = [#tpu.dimension_semantics<arbitrary>], iteration_bounds = array<i64: 62>, scalar_prefetch = 0 : i64, scratch_operands = 0 : i64, tpu.core_type = #tpu.core_type<tc>, window_params = [{transform_indices = @transform_0, window_bounds = array<i64: 32, 16384>}, {transform_indices = @transform_1, window_bounds = array<i64: 32, 16384>}, {transform_indices = @transform_2, window_bounds = array<i64: 32, 16384>}, {transform_indices = @transform_3, window_bounds = array<i64: 32, 16384>}, {transform_indices = @transform_4, window_bounds = array<i64: 4096, 128>}, {transform_indices = @transform_5, window_bounds = array<i64: 4096, 128>}, {transform_indices = @transform_6, window_bounds = array<i64: 4096, 128>}, {transform_indices = @transform_7, window_bounds = array<i64: 4096, 128>}]} {
    %iota3A = tpu.iota {dimensions = array<i32: 0>} : vector<32x32xi32>
    %iota3A_0 = tpu.iota {dimensions = array<i32: 1>} : vector<32x32xi32>
    %add3A = arith.constant 0 : i32
    %add3A_1 = vector.broadcast %add3A : i32 to vector<32x32xi32>
    %add3A_2 = arith.addi %iota3A, %add3A_1 : vector<32x32xi32>
    %eq3A = arith.cmpi eq, %add3A_2, %iota3A_0 : vector<32x32xi32>
    %convert_element_type3A = arith.extui %eq3A : vector<32x32xi1> to vector<32x32xi32>
    %convert_element_type3A_3 = arith.sitofp %convert_element_type3A : vector<32x32xi32> to vector<32x32xf32>
    %get3A = arith.constant 0 : index
    %get3A_4 = arith.constant 0 : index
    %get3A_5 = vector.load %arg1[%get3A, %get3A_4] : memref<32x16384xf32, #tpu.memory_space<vmem>>, vector<32x4096xf32>
    %dot_general3A = arith.constant dense<0.000000e+00> : vector<4096x32xf32>
    %dot_general3A_6 = tpu.matmul %get3A_5, %convert_element_type3A_3, %dot_general3A {dimension_numbers = #tpu.dot_dimension_numbers<[0], [0], [1], [1], [0, 1, 1, 1], [], []>, transpose_lhs_hint = false} : vector<32x4096xf32>, vector<32x32xf32>, vector<4096x32xf32> -> vector<4096x32xf32>
    %get3A_7 = arith.constant 0 : index
    %get3A_8 = arith.constant 4096 : index
    %get3A_9 = vector.load %arg1[%get3A_7, %get3A_8] : memref<32x16384xf32, #tpu.memory_space<vmem>>, vector<32x4096xf32>
    %dot_general3A_10 = arith.constant dense<0.000000e+00> : vector<4096x32xf32>
    %dot_general3A_11 = tpu.matmul %get3A_9, %convert_element_type3A_3, %dot_general3A_10 {dimension_numbers = #tpu.dot_dimension_numbers<[0], [0], [1], [1], [0, 1, 1, 1], [], []>, transpose_lhs_hint = false} : vector<32x4096xf32>, vector<32x32xf32>, vector<4096x32xf32> -> vector<4096x32xf32>
    %get3A_12 = arith.constant 0 : index
    %get3A_13 = arith.constant 8192 : index
    %get3A_14 = vector.load %arg1[%get3A_12, %get3A_13] : memref<32x16384xf32, #tpu.memory_space<vmem>>, vector<32x4096xf32>
    %dot_general3A_15 = arith.constant dense<0.000000e+00> : vector<4096x32xf32>
    %dot_general3A_16 = tpu.matmul %get3A_14, %convert_element_type3A_3, %dot_general3A_15 {dimension_numbers = #tpu.dot_dimension_numbers<[0], [0], [1], [1], [0, 1, 1, 1], [], []>, transpose_lhs_hint = false} : vector<32x4096xf32>, vector<32x32xf32>, vector<4096x32xf32> -> vector<4096x32xf32>
    %get3A_17 = arith.constant 0 : index
    %get3A_18 = arith.constant 12288 : index
    %get3A_19 = vector.load %arg1[%get3A_17, %get3A_18] : memref<32x16384xf32, #tpu.memory_space<vmem>>, vector<32x4096xf32>
    %dot_general3A_20 = arith.constant dense<0.000000e+00> : vector<4096x32xf32>
    %dot_general3A_21 = tpu.matmul %get3A_19, %convert_element_type3A_3, %dot_general3A_20 {dimension_numbers = #tpu.dot_dimension_numbers<[0], [0], [1], [1], [0, 1, 1, 1], [], []>, transpose_lhs_hint = false} : vector<32x4096xf32>, vector<32x32xf32>, vector<4096x32xf32> -> vector<4096x32xf32>
    %concatenate3A = tpu.concatenate %dot_general3A_6, %dot_general3A_11, %dot_general3A_16, %dot_general3A_21 in 1 : vector<4096x32xf32>, vector<4096x32xf32>, vector<4096x32xf32>, vector<4096x32xf32> -> vector<4096x128xf32>
    %swap3A = arith.constant 0 : index
    %swap3A_22 = arith.constant 0 : index
    %swap3A_23 = vector.load %arg5[%swap3A, %swap3A_22] : memref<4096x128xf32, #tpu.memory_space<vmem>>, vector<4096x128xf32>
    tpu.vector_store %arg5[%swap3A, %swap3A_22], %concatenate3A {strides = array<i32>} : memref<4096x128xf32, #tpu.memory_space<vmem>>, vector<4096x128xf32>,
    %get3A_24 = arith.constant 0 : index
    %get3A_25 = arith.constant 0 : index
    %get3A_26 = vector.load %arg2[%get3A_24, %get3A_25] : memref<32x16384xf32, #tpu.memory_space<vmem>>, vector<32x4096xf32>
    %dot_general3A_27 = arith.constant dense<0.000000e+00> : vector<4096x32xf32>
    %dot_general3A_28 = tpu.matmul %get3A_26, %convert_element_type3A_3, %dot_general3A_27 {dimension_numbers = #tpu.dot_dimension_numbers<[0], [0], [1], [1], [0, 1, 1, 1], [], []>, transpose_lhs_hint = false} : vector<32x4096xf32>, vector<32x32xf32>, vector<4096x32xf32> -> vector<4096x32xf32>
    %get3A_29 = arith.constant 0 : index
    %get3A_30 = arith.constant 4096 : index
    %get3A_31 = vector.load %arg2[%get3A_29, %get3A_30] : memref<32x16384xf32, #tpu.memory_space<vmem>>, vector<32x4096xf32>
    %dot_general3A_32 = arith.constant dense<0.000000e+00> : vector<4096x32xf32>
    %dot_general3A_33 = tpu.matmul %get3A_31, %convert_element_type3A_3, %dot_general3A_32 {dimension_numbers = #tpu.dot_dimension_numbers<[0], [0], [1], [1], [0, 1, 1, 1], [], []>, transpose_lhs_hint = false} : vector<32x4096xf32>, vector<32x32xf32>, vector<4096x32xf32> -> vector<4096x32xf32>
    %get3A_34 = arith.constant 0 : index
    %get3A_35 = arith.constant 8192 : index
    %get3A_36 = vector.load %arg2[%get3A_34, %get3A_35] : memref<32x16384xf32, #tpu.memory_space<vmem>>, vector<32x4096xf32>
    %dot_general3A_37 = arith.constant dense<0.000000e+00> : vector<4096x32xf32>
    %dot_general3A_38 = tpu.matmul %get3A_36, %convert_element_type3A_3, %dot_general3A_37 {dimension_numbers = #tpu.dot_dimension_numbers<[0], [0], [1], [1], [0, 1, 1, 1], [], []>, transpose_lhs_hint = false} : vector<32x4096xf32>, vector<32x32xf32>, vector<4096x32xf32> -> vector<4096x32xf32>
    %get3A_39 = arith.constant 0 : index
    %get3A_40 = arith.constant 12288 : index
    %get3A_41 = vector.load %arg2[%get3A_39, %get3A_40] : memref<32x16384xf32, #tpu.memory_space<vmem>>, vector<32x4096xf32>
    %dot_general3A_42 = arith.constant dense<0.000000e+00> : vector<4096x32xf32>
    %dot_general3A_43 = tpu.matmul %get3A_41, %convert_element_type3A_3, %dot_general3A_42 {dimension_numbers = #tpu.dot_dimension_numbers<[0], [0], [1], [1], [0, 1, 1, 1], [], []>, transpose_lhs_hint = false} : vector<32x4096xf32>, vector<32x32xf32>, vector<4096x32xf32> -> vector<4096x32xf32>
    %concatenate3A_44 = tpu.concatenate %dot_general3A_28, %dot_general3A_33, %dot_general3A_38, %dot_general3A_43 in 1 : vector<4096x32xf32>, vector<4096x32xf32>, vector<4096x32xf32>, vector<4096x32xf32> -> vector<4096x128xf32>
    %swap3A_45 = arith.constant 0 : index
    %swap3A_46 = arith.constant 0 : index
    %swap3A_47 = vector.load %arg6[%swap3A_45, %swap3A_46] : memref<4096x128xf32, #tpu.memory_space<vmem>>, vector<4096x128xf32>
    tpu.vector_store %arg6[%swap3A_45, %swap3A_46], %concatenate3A_44 {strides = array<i32>} : memref<4096x128xf32, #tpu.memory_space<vmem>>, vector<4096x128xf32>,
    %get3A_48 = arith.constant 0 : index
    %get3A_49 = arith.constant 0 : index
    %get3A_50 = vector.load %arg3[%get3A_48, %get3A_49] : memref<32x16384xf32, #tpu.memory_space<vmem>>, vector<32x4096xf32>
    %dot_general3A_51 = arith.constant dense<0.000000e+00> : vector<4096x32xf32>
    %dot_general3A_52 = tpu.matmul %get3A_50, %convert_element_type3A_3, %dot_general3A_51 {dimension_numbers = #tpu.dot_dimension_numbers<[0], [0], [1], [1], [0, 1, 1, 1], [], []>, transpose_lhs_hint = false} : vector<32x4096xf32>, vector<32x32xf32>, vector<4096x32xf32> -> vector<4096x32xf32>
    %get3A_53 = arith.constant 0 : index
    %get3A_54 = arith.constant 4096 : index
    %get3A_55 = vector.load %arg3[%get3A_53, %get3A_54] : memref<32x16384xf32, #tpu.memory_space<vmem>>, vector<32x4096xf32>
    %dot_general3A_56 = arith.constant dense<0.000000e+00> : vector<4096x32xf32>
    %dot_general3A_57 = tpu.matmul %get3A_55, %convert_element_type3A_3, %dot_general3A_56 {dimension_numbers = #tpu.dot_dimension_numbers<[0], [0], [1], [1], [0, 1, 1, 1], [], []>, transpose_lhs_hint = false} : vector<32x4096xf32>, vector<32x32xf32>, vector<4096x32xf32> -> vector<4096x32xf32>
    %get3A_58 = arith.constant 0 : index
    %get3A_59 = arith.constant 8192 : index
    %get3A_60 = vector.load %arg3[%get3A_58, %get3A_59] : memref<32x16384xf32, #tpu.memory_space<vmem>>, vector<32x4096xf32>
    %dot_general3A_61 = arith.constant dense<0.000000e+00> : vector<4096x32xf32>
    %dot_general3A_62 = tpu.matmul %get3A_60, %convert_element_type3A_3, %dot_general3A_61 {dimension_numbers = #tpu.dot_dimension_numbers<[0], [0], [1], [1], [0, 1, 1, 1], [], []>, transpose_lhs_hint = false} : vector<32x4096xf32>, vector<32x32xf32>, vector<4096x32xf32> -> vector<4096x32xf32>
    %get3A_63 = arith.constant 0 : index
    %get3A_64 = arith.constant 12288 : index
    %get3A_65 = vector.load %arg3[%get3A_63, %get3A_64] : memref<32x16384xf32, #tpu.memory_space<vmem>>, vector<32x4096xf32>
    %dot_general3A_66 = arith.constant dense<0.000000e+00> : vector<4096x32xf32>
    %dot_general3A_67 = tpu.matmul %get3A_65, %convert_element_type3A_3, %dot_general3A_66 {dimension_numbers = #tpu.dot_dimension_numbers<[0], [0], [1], [1], [0, 1, 1, 1], [], []>, transpose_lhs_hint = false} : vector<32x4096xf32>, vector<32x32xf32>, vector<4096x32xf32> -> vector<4096x32xf32>
    %concatenate3A_68 = tpu.concatenate %dot_general3A_52, %dot_general3A_57, %dot_general3A_62, %dot_general3A_67 in 1 : vector<4096x32xf32>, vector<4096x32xf32>, vector<4096x32xf32>, vector<4096x32xf32> -> vector<4096x128xf32>
    %swap3A_69 = arith.constant 0 : index
    %swap3A_70 = arith.constant 0 : index
    %swap3A_71 = vector.load %arg7[%swap3A_69, %swap3A_70] : memref<4096x128xf32, #tpu.memory_space<vmem>>, vector<4096x128xf32>
    tpu.vector_store %arg7[%swap3A_69, %swap3A_70], %concatenate3A_68 {strides = array<i32>} : memref<4096x128xf32, #tpu.memory_space<vmem>>, vector<4096x128xf32>,
    %get3A_72 = arith.constant 0 : index
    %get3A_73 = arith.constant 0 : index
    %get3A_74 = vector.load %arg4[%get3A_72, %get3A_73] : memref<32x16384xf32, #tpu.memory_space<vmem>>, vector<32x4096xf32>
    %dot_general3A_75 = arith.constant dense<0.000000e+00> : vector<4096x32xf32>
    %dot_general3A_76 = tpu.matmul %get3A_74, %convert_element_type3A_3, %dot_general3A_75 {dimension_numbers = #tpu.dot_dimension_numbers<[0], [0], [1], [1], [0, 1, 1, 1], [], []>, transpose_lhs_hint = false} : vector<32x4096xf32>, vector<32x32xf32>, vector<4096x32xf32> -> vector<4096x32xf32>
    %get3A_77 = arith.constant 0 : index
    %get3A_78 = arith.constant 4096 : index
    %get3A_79 = vector.load %arg4[%get3A_77, %get3A_78] : memref<32x16384xf32, #tpu.memory_space<vmem>>, vector<32x4096xf32>
    %dot_general3A_80 = arith.constant dense<0.000000e+00> : vector<4096x32xf32>
    %dot_general3A_81 = tpu.matmul %get3A_79, %convert_element_type3A_3, %dot_general3A_80 {dimension_numbers = #tpu.dot_dimension_numbers<[0], [0], [1], [1], [0, 1, 1, 1], [], []>, transpose_lhs_hint = false} : vector<32x4096xf32>, vector<32x32xf32>, vector<4096x32xf32> -> vector<4096x32xf32>
    %get3A_82 = arith.constant 0 : index
    %get3A_83 = arith.constant 8192 : index
    %get3A_84 = vector.load %arg4[%get3A_82, %get3A_83] : memref<32x16384xf32, #tpu.memory_space<vmem>>, vector<32x4096xf32>
    %dot_general3A_85 = arith.constant dense<0.000000e+00> : vector<4096x32xf32>
    %dot_general3A_86 = tpu.matmul %get3A_84, %convert_element_type3A_3, %dot_general3A_85 {dimension_numbers = #tpu.dot_dimension_numbers<[0], [0], [1], [1], [0, 1, 1, 1], [], []>, transpose_lhs_hint = false} : vector<32x4096xf32>, vector<32x32xf32>, vector<4096x32xf32> -> vector<4096x32xf32>
    %get3A_87 = arith.constant 0 : index
    %get3A_88 = arith.constant 12288 : index
    %get3A_89 = vector.load %arg4[%get3A_87, %get3A_88] : memref<32x16384xf32, #tpu.memory_space<vmem>>, vector<32x4096xf32>
    %dot_general3A_90 = arith.constant dense<0.000000e+00> : vector<4096x32xf32>
    %dot_general3A_91 = tpu.matmul %get3A_89, %convert_element_type3A_3, %dot_general3A_90 {dimension_numbers = #tpu.dot_dimension_numbers<[0], [0], [1], [1], [0, 1, 1, 1], [], []>, transpose_lhs_hint = false} : vector<32x4096xf32>, vector<32x32xf32>, vector<4096x32xf32> -> vector<4096x32xf32>
    %concatenate3A_92 = tpu.concatenate %dot_general3A_76, %dot_general3A_81, %dot_general3A_86, %dot_general3A_91 in 1 : vector<4096x32xf32>, vector<4096x32xf32>, vector<4096x32xf32>, vector<4096x32xf32> -> vector<4096x128xf32>
    %swap3A_93 = arith.constant 0 : index
    %swap3A_94 = arith.constant 0 : index
    %swap3A_95 = vector.load %arg8[%swap3A_93, %swap3A_94] : memref<4096x128xf32, #tpu.memory_space<vmem>>, vector<4096x128xf32>
    tpu.vector_store %arg8[%swap3A_93, %swap3A_94], %concatenate3A_92 {strides = array<i32>} : memref<4096x128xf32, #tpu.memory_space<vmem>>, vector<4096x128xf32>,
    return
  }
  func.func @transform_0(%arg0: i32) -> (i32, i32) {
    %c0_i32 = arith.constant 0 : i32
    %c0_i32_0 = arith.constant 0 : i32
    return %c0_i32, %arg0 : i32, i32
  }
  func.func @transform_1(%arg0: i32) -> (i32, i32) {
    %c0_i32 = arith.constant 0 : i32
    %c0_i32_0 = arith.constant 0 : i32
    return %c0_i32, %arg0 : i32, i32
  }
  func.func @transform_2(%arg0: i32) -> (i32, i32) {
    %c0_i32 = arith.constant 0 : i32
    %c0_i32_0 = arith.constant 0 : i32
    return %c0_i32, %arg0 : i32, i32
  }
  func.func @transform_3(%arg0: i32) -> (i32, i32) {
    %c0_i32 = arith.constant 0 : i32
    %c0_i32_0 = arith.constant 0 : i32
    return %c0_i32, %arg0 : i32, i32
  }
  func.func @transform_4(%arg0: i32) -> (i32, i32) {
    %c0_i32 = arith.constant 0 : i32
    %c0_i32_0 = arith.constant 0 : i32
    return %arg0, %c0_i32 : i32, i32
  }
  func.func @transform_5(%arg0: i32) -> (i32, i32) {
    %c0_i32 = arith.constant 0 : i32
    %c0_i32_0 = arith.constant 0 : i32
    return %arg0, %c0_i32 : i32, i32
  }
  func.func @transform_6(%arg0: i32) -> (i32, i32) {
    %c0_i32 = arith.constant 0 : i32
    %c0_i32_0 = arith.constant 0 : i32
    return %arg0, %c0_i32 : i32, i32
  }
  func.func @transform_7(%arg0: i32) -> (i32, i32) {
    %c0_i32 = arith.constant 0 : i32
    %c0_i32_0 = arith.constant 0 : i32
    return %arg0, %c0_i32 : i32, i32
  }
}

module attributes {stable_mosaic.version = 14 : i64} {
  func.func @_sel_body(%arg0: i32, %arg1: memref<2048x1xi32, #tpu.memory_space<vmem>>, %arg2: memref<2048x1xi32, #tpu.memory_space<vmem>>, %arg3: memref<2048x128xf32, #tpu.memory_space<vmem>>, %arg4: memref<2048x128xf32, #tpu.memory_space<vmem>>, %arg5: memref<2048x128xf32, #tpu.memory_space<vmem>>, %arg6: memref<2048x128xf32, #tpu.memory_space<vmem>>, %arg7: memref<2048x32xf32, #tpu.memory_space<vmem>>, %arg8: memref<2048x32xf32, #tpu.memory_space<vmem>>, %arg9: memref<2048x32xf32, #tpu.memory_space<vmem>>, %arg10: memref<2048x32xf32, #tpu.memory_space<vmem>>) attributes {dimension_semantics = [#tpu.dimension_semantics<arbitrary>], iteration_bounds = array<i64: 8>, scalar_prefetch = 0 : i64, scratch_operands = 0 : i64, tpu.core_type = #tpu.core_type<tc>, window_params = [{transform_indices = @transform_0, window_bounds = array<i64: 2048, 1>}, {transform_indices = @transform_1, window_bounds = array<i64: 2048, 1>}, {transform_indices = @transform_2, window_bounds = array<i64: 2048, 128>}, {transform_indices = @transform_3, window_bounds = array<i64: 2048, 128>}, {transform_indices = @transform_4, window_bounds = array<i64: 2048, 128>}, {transform_indices = @transform_5, window_bounds = array<i64: 2048, 128>}, {transform_indices = @transform_6, window_bounds = array<i64: 2048, 32>}, {transform_indices = @transform_7, window_bounds = array<i64: 2048, 32>}, {transform_indices = @transform_8, window_bounds = array<i64: 2048, 32>}, {transform_indices = @transform_9, window_bounds = array<i64: 2048, 32>}]} {
    %get3A = arith.constant 0 : index
    %get3A_0 = arith.constant 0 : index
    %get3A_1 = vector.load %arg1[%get3A, %get3A_0] : memref<2048x1xi32, #tpu.memory_space<vmem>>, vector<2048x1xi32>
    %get3A_2 = arith.constant 0 : index
    %get3A_3 = arith.constant 0 : index
    %get3A_4 = vector.load %arg2[%get3A_2, %get3A_3] : memref<2048x1xi32, #tpu.memory_space<vmem>>, vector<2048x1xi32>
    %get3A_5 = arith.constant 0 : index
    %get3A_6 = arith.constant 0 : index
    %get3A_7 = vector.load %arg1[%get3A_5, %get3A_6] : memref<2048x1xi32, #tpu.memory_space<vmem>>, vector<2048x1xi32>
    %get3A_8 = arith.constant 0 : index
    %get3A_9 = arith.constant 0 : index
    %get3A_10 = vector.load %arg2[%get3A_8, %get3A_9] : memref<2048x1xi32, #tpu.memory_space<vmem>>, vector<2048x1xi32>
    %get3A_11 = arith.constant 0 : index
    %get3A_12 = arith.constant 0 : index
    %get3A_13 = vector.load %arg3[%get3A_11, %get3A_12] : memref<2048x128xf32, #tpu.memory_space<vmem>>, vector<2048x128xf32>
    %eq3A = arith.constant 0 : i32
    %eq3A_14 = vector.broadcast %eq3A : i32 to vector<2048x1xi32>
    %eq3A_15 = arith.cmpi eq, %get3A_1, %eq3A_14 : vector<2048x1xi32>
    %slice3A = vector.extract_strided_slice %get3A_13 {offsets = [0, 0], sizes = [2048, 32], strides = [1, 1]} : vector<2048x128xf32> to vector<2048x32xf32>
    %jit3A = arith.constant 0.000000e+00 : f32
    %broadcast_in_dim3A = vector.shape_cast %eq3A_15 : vector<2048x1xi1> to vector<2048x1xi1>
    %broadcast_in_dim3A_16 = vector.broadcast %broadcast_in_dim3A : vector<2048x1xi1> to vector<2048x32xi1>
    %broadcast_in_dim3A_17 = vector.broadcast %jit3A : f32 to vector<2048x32xf32>
    %select_n3A = arith.select %broadcast_in_dim3A_16, %slice3A, %broadcast_in_dim3A_17 : vector<2048x32xi1>, vector<2048x32xf32>
    %eq3A_18 = arith.constant 1 : i32
    %eq3A_19 = vector.broadcast %eq3A_18 : i32 to vector<2048x1xi32>
    %eq3A_20 = arith.cmpi eq, %get3A_1, %eq3A_19 : vector<2048x1xi32>
    %slice3A_21 = vector.extract_strided_slice %get3A_13 {offsets = [0, 32], sizes = [2048, 32], strides = [1, 1]} : vector<2048x128xf32> to vector<2048x32xf32>
    %jit3A_22 = arith.constant 0.000000e+00 : f32
    %broadcast_in_dim3A_23 = vector.shape_cast %eq3A_20 : vector<2048x1xi1> to vector<2048x1xi1>
    %broadcast_in_dim3A_24 = vector.broadcast %broadcast_in_dim3A_23 : vector<2048x1xi1> to vector<2048x32xi1>
    %broadcast_in_dim3A_25 = vector.broadcast %jit3A_22 : f32 to vector<2048x32xf32>
    %select_n3A_26 = arith.select %broadcast_in_dim3A_24, %slice3A_21, %broadcast_in_dim3A_25 : vector<2048x32xi1>, vector<2048x32xf32>
    %add3A = arith.addf %select_n3A, %select_n3A_26 : vector<2048x32xf32>
    %eq3A_27 = arith.constant 2 : i32
    %eq3A_28 = vector.broadcast %eq3A_27 : i32 to vector<2048x1xi32>
    %eq3A_29 = arith.cmpi eq, %get3A_1, %eq3A_28 : vector<2048x1xi32>
    %slice3A_30 = vector.extract_strided_slice %get3A_13 {offsets = [0, 64], sizes = [2048, 32], strides = [1, 1]} : vector<2048x128xf32> to vector<2048x32xf32>
    %jit3A_31 = arith.constant 0.000000e+00 : f32
    %broadcast_in_dim3A_32 = vector.shape_cast %eq3A_29 : vector<2048x1xi1> to vector<2048x1xi1>
    %broadcast_in_dim3A_33 = vector.broadcast %broadcast_in_dim3A_32 : vector<2048x1xi1> to vector<2048x32xi1>
    %broadcast_in_dim3A_34 = vector.broadcast %jit3A_31 : f32 to vector<2048x32xf32>
    %select_n3A_35 = arith.select %broadcast_in_dim3A_33, %slice3A_30, %broadcast_in_dim3A_34 : vector<2048x32xi1>, vector<2048x32xf32>
    %add3A_36 = arith.addf %add3A, %select_n3A_35 : vector<2048x32xf32>
    %eq3A_37 = arith.constant 3 : i32
    %eq3A_38 = vector.broadcast %eq3A_37 : i32 to vector<2048x1xi32>
    %eq3A_39 = arith.cmpi eq, %get3A_1, %eq3A_38 : vector<2048x1xi32>
    %slice3A_40 = vector.extract_strided_slice %get3A_13 {offsets = [0, 96], sizes = [2048, 32], strides = [1, 1]} : vector<2048x128xf32> to vector<2048x32xf32>
    %jit3A_41 = arith.constant 0.000000e+00 : f32
    %broadcast_in_dim3A_42 = vector.shape_cast %eq3A_39 : vector<2048x1xi1> to vector<2048x1xi1>
    %broadcast_in_dim3A_43 = vector.broadcast %broadcast_in_dim3A_42 : vector<2048x1xi1> to vector<2048x32xi1>
    %broadcast_in_dim3A_44 = vector.broadcast %jit3A_41 : f32 to vector<2048x32xf32>
    %select_n3A_45 = arith.select %broadcast_in_dim3A_43, %slice3A_40, %broadcast_in_dim3A_44 : vector<2048x32xi1>, vector<2048x32xf32>
    %add3A_46 = arith.addf %add3A_36, %select_n3A_45 : vector<2048x32xf32>
    %swap3A = arith.constant 0 : index
    %swap3A_47 = arith.constant 0 : index
    %swap3A_48 = vector.load %arg7[%swap3A, %swap3A_47] : memref<2048x32xf32, #tpu.memory_space<vmem>>, vector<2048x32xf32>
    tpu.vector_store %arg7[%swap3A, %swap3A_47], %add3A_46 {strides = array<i32>} : memref<2048x32xf32, #tpu.memory_space<vmem>>, vector<2048x32xf32>,
    %get3A_49 = arith.constant 0 : index
    %get3A_50 = arith.constant 0 : index
    %get3A_51 = vector.load %arg4[%get3A_49, %get3A_50] : memref<2048x128xf32, #tpu.memory_space<vmem>>, vector<2048x128xf32>
    %eq3A_52 = arith.constant 0 : i32
    %eq3A_53 = vector.broadcast %eq3A_52 : i32 to vector<2048x1xi32>
    %eq3A_54 = arith.cmpi eq, %get3A_4, %eq3A_53 : vector<2048x1xi32>
    %slice3A_55 = vector.extract_strided_slice %get3A_51 {offsets = [0, 0], sizes = [2048, 32], strides = [1, 1]} : vector<2048x128xf32> to vector<2048x32xf32>
    %jit3A_56 = arith.constant 0.000000e+00 : f32
    %broadcast_in_dim3A_57 = vector.shape_cast %eq3A_54 : vector<2048x1xi1> to vector<2048x1xi1>
    %broadcast_in_dim3A_58 = vector.broadcast %broadcast_in_dim3A_57 : vector<2048x1xi1> to vector<2048x32xi1>
    %broadcast_in_dim3A_59 = vector.broadcast %jit3A_56 : f32 to vector<2048x32xf32>
    %select_n3A_60 = arith.select %broadcast_in_dim3A_58, %slice3A_55, %broadcast_in_dim3A_59 : vector<2048x32xi1>, vector<2048x32xf32>
    %eq3A_61 = arith.constant 1 : i32
    %eq3A_62 = vector.broadcast %eq3A_61 : i32 to vector<2048x1xi32>
    %eq3A_63 = arith.cmpi eq, %get3A_4, %eq3A_62 : vector<2048x1xi32>
    %slice3A_64 = vector.extract_strided_slice %get3A_51 {offsets = [0, 32], sizes = [2048, 32], strides = [1, 1]} : vector<2048x128xf32> to vector<2048x32xf32>
    %jit3A_65 = arith.constant 0.000000e+00 : f32
    %broadcast_in_dim3A_66 = vector.shape_cast %eq3A_63 : vector<2048x1xi1> to vector<2048x1xi1>
    %broadcast_in_dim3A_67 = vector.broadcast %broadcast_in_dim3A_66 : vector<2048x1xi1> to vector<2048x32xi1>
    %broadcast_in_dim3A_68 = vector.broadcast %jit3A_65 : f32 to vector<2048x32xf32>
    %select_n3A_69 = arith.select %broadcast_in_dim3A_67, %slice3A_64, %broadcast_in_dim3A_68 : vector<2048x32xi1>, vector<2048x32xf32>
    %add3A_70 = arith.addf %select_n3A_60, %select_n3A_69 : vector<2048x32xf32>
    %eq3A_71 = arith.constant 2 : i32
    %eq3A_72 = vector.broadcast %eq3A_71 : i32 to vector<2048x1xi32>
    %eq3A_73 = arith.cmpi eq, %get3A_4, %eq3A_72 : vector<2048x1xi32>
    %slice3A_74 = vector.extract_strided_slice %get3A_51 {offsets = [0, 64], sizes = [2048, 32], strides = [1, 1]} : vector<2048x128xf32> to vector<2048x32xf32>
    %jit3A_75 = arith.constant 0.000000e+00 : f32
    %broadcast_in_dim3A_76 = vector.shape_cast %eq3A_73 : vector<2048x1xi1> to vector<2048x1xi1>
    %broadcast_in_dim3A_77 = vector.broadcast %broadcast_in_dim3A_76 : vector<2048x1xi1> to vector<2048x32xi1>
    %broadcast_in_dim3A_78 = vector.broadcast %jit3A_75 : f32 to vector<2048x32xf32>
    %select_n3A_79 = arith.select %broadcast_in_dim3A_77, %slice3A_74, %broadcast_in_dim3A_78 : vector<2048x32xi1>, vector<2048x32xf32>
    %add3A_80 = arith.addf %add3A_70, %select_n3A_79 : vector<2048x32xf32>
    %eq3A_81 = arith.constant 3 : i32
    %eq3A_82 = vector.broadcast %eq3A_81 : i32 to vector<2048x1xi32>
    %eq3A_83 = arith.cmpi eq, %get3A_4, %eq3A_82 : vector<2048x1xi32>
    %slice3A_84 = vector.extract_strided_slice %get3A_51 {offsets = [0, 96], sizes = [2048, 32], strides = [1, 1]} : vector<2048x128xf32> to vector<2048x32xf32>
    %jit3A_85 = arith.constant 0.000000e+00 : f32
    %broadcast_in_dim3A_86 = vector.shape_cast %eq3A_83 : vector<2048x1xi1> to vector<2048x1xi1>
    %broadcast_in_dim3A_87 = vector.broadcast %broadcast_in_dim3A_86 : vector<2048x1xi1> to vector<2048x32xi1>
    %broadcast_in_dim3A_88 = vector.broadcast %jit3A_85 : f32 to vector<2048x32xf32>
    %select_n3A_89 = arith.select %broadcast_in_dim3A_87, %slice3A_84, %broadcast_in_dim3A_88 : vector<2048x32xi1>, vector<2048x32xf32>
    %add3A_90 = arith.addf %add3A_80, %select_n3A_89 : vector<2048x32xf32>
    %swap3A_91 = arith.constant 0 : index
    %swap3A_92 = arith.constant 0 : index
    %swap3A_93 = vector.load %arg8[%swap3A_91, %swap3A_92] : memref<2048x32xf32, #tpu.memory_space<vmem>>, vector<2048x32xf32>
    tpu.vector_store %arg8[%swap3A_91, %swap3A_92], %add3A_90 {strides = array<i32>} : memref<2048x32xf32, #tpu.memory_space<vmem>>, vector<2048x32xf32>,
    %get3A_94 = arith.constant 0 : index
    %get3A_95 = arith.constant 0 : index
    %get3A_96 = vector.load %arg5[%get3A_94, %get3A_95] : memref<2048x128xf32, #tpu.memory_space<vmem>>, vector<2048x128xf32>
    %eq3A_97 = arith.constant 0 : i32
    %eq3A_98 = vector.broadcast %eq3A_97 : i32 to vector<2048x1xi32>
    %eq3A_99 = arith.cmpi eq, %get3A_7, %eq3A_98 : vector<2048x1xi32>
    %slice3A_100 = vector.extract_strided_slice %get3A_96 {offsets = [0, 0], sizes = [2048, 32], strides = [1, 1]} : vector<2048x128xf32> to vector<2048x32xf32>
    %jit3A_101 = arith.constant 0.000000e+00 : f32
    %broadcast_in_dim3A_102 = vector.shape_cast %eq3A_99 : vector<2048x1xi1> to vector<2048x1xi1>
    %broadcast_in_dim3A_103 = vector.broadcast %broadcast_in_dim3A_102 : vector<2048x1xi1> to vector<2048x32xi1>
    %broadcast_in_dim3A_104 = vector.broadcast %jit3A_101 : f32 to vector<2048x32xf32>
    %select_n3A_105 = arith.select %broadcast_in_dim3A_103, %slice3A_100, %broadcast_in_dim3A_104 : vector<2048x32xi1>, vector<2048x32xf32>
    %eq3A_106 = arith.constant 1 : i32
    %eq3A_107 = vector.broadcast %eq3A_106 : i32 to vector<2048x1xi32>
    %eq3A_108 = arith.cmpi eq, %get3A_7, %eq3A_107 : vector<2048x1xi32>
    %slice3A_109 = vector.extract_strided_slice %get3A_96 {offsets = [0, 32], sizes = [2048, 32], strides = [1, 1]} : vector<2048x128xf32> to vector<2048x32xf32>
    %jit3A_110 = arith.constant 0.000000e+00 : f32
    %broadcast_in_dim3A_111 = vector.shape_cast %eq3A_108 : vector<2048x1xi1> to vector<2048x1xi1>
    %broadcast_in_dim3A_112 = vector.broadcast %broadcast_in_dim3A_111 : vector<2048x1xi1> to vector<2048x32xi1>
    %broadcast_in_dim3A_113 = vector.broadcast %jit3A_110 : f32 to vector<2048x32xf32>
    %select_n3A_114 = arith.select %broadcast_in_dim3A_112, %slice3A_109, %broadcast_in_dim3A_113 : vector<2048x32xi1>, vector<2048x32xf32>
    %add3A_115 = arith.addf %select_n3A_105, %select_n3A_114 : vector<2048x32xf32>
    %eq3A_116 = arith.constant 2 : i32
    %eq3A_117 = vector.broadcast %eq3A_116 : i32 to vector<2048x1xi32>
    %eq3A_118 = arith.cmpi eq, %get3A_7, %eq3A_117 : vector<2048x1xi32>
    %slice3A_119 = vector.extract_strided_slice %get3A_96 {offsets = [0, 64], sizes = [2048, 32], strides = [1, 1]} : vector<2048x128xf32> to vector<2048x32xf32>
    %jit3A_120 = arith.constant 0.000000e+00 : f32
    %broadcast_in_dim3A_121 = vector.shape_cast %eq3A_118 : vector<2048x1xi1> to vector<2048x1xi1>
    %broadcast_in_dim3A_122 = vector.broadcast %broadcast_in_dim3A_121 : vector<2048x1xi1> to vector<2048x32xi1>
    %broadcast_in_dim3A_123 = vector.broadcast %jit3A_120 : f32 to vector<2048x32xf32>
    %select_n3A_124 = arith.select %broadcast_in_dim3A_122, %slice3A_119, %broadcast_in_dim3A_123 : vector<2048x32xi1>, vector<2048x32xf32>
    %add3A_125 = arith.addf %add3A_115, %select_n3A_124 : vector<2048x32xf32>
    %eq3A_126 = arith.constant 3 : i32
    %eq3A_127 = vector.broadcast %eq3A_126 : i32 to vector<2048x1xi32>
    %eq3A_128 = arith.cmpi eq, %get3A_7, %eq3A_127 : vector<2048x1xi32>
    %slice3A_129 = vector.extract_strided_slice %get3A_96 {offsets = [0, 96], sizes = [2048, 32], strides = [1, 1]} : vector<2048x128xf32> to vector<2048x32xf32>
    %jit3A_130 = arith.constant 0.000000e+00 : f32
    %broadcast_in_dim3A_131 = vector.shape_cast %eq3A_128 : vector<2048x1xi1> to vector<2048x1xi1>
    %broadcast_in_dim3A_132 = vector.broadcast %broadcast_in_dim3A_131 : vector<2048x1xi1> to vector<2048x32xi1>
    %broadcast_in_dim3A_133 = vector.broadcast %jit3A_130 : f32 to vector<2048x32xf32>
    %select_n3A_134 = arith.select %broadcast_in_dim3A_132, %slice3A_129, %broadcast_in_dim3A_133 : vector<2048x32xi1>, vector<2048x32xf32>
    %add3A_135 = arith.addf %add3A_125, %select_n3A_134 : vector<2048x32xf32>
    %swap3A_136 = arith.constant 0 : index
    %swap3A_137 = arith.constant 0 : index
    %swap3A_138 = vector.load %arg9[%swap3A_136, %swap3A_137] : memref<2048x32xf32, #tpu.memory_space<vmem>>, vector<2048x32xf32>
    tpu.vector_store %arg9[%swap3A_136, %swap3A_137], %add3A_135 {strides = array<i32>} : memref<2048x32xf32, #tpu.memory_space<vmem>>, vector<2048x32xf32>,
    %get3A_139 = arith.constant 0 : index
    %get3A_140 = arith.constant 0 : index
    %get3A_141 = vector.load %arg6[%get3A_139, %get3A_140] : memref<2048x128xf32, #tpu.memory_space<vmem>>, vector<2048x128xf32>
    %eq3A_142 = arith.constant 0 : i32
    %eq3A_143 = vector.broadcast %eq3A_142 : i32 to vector<2048x1xi32>
    %eq3A_144 = arith.cmpi eq, %get3A_10, %eq3A_143 : vector<2048x1xi32>
    %slice3A_145 = vector.extract_strided_slice %get3A_141 {offsets = [0, 0], sizes = [2048, 32], strides = [1, 1]} : vector<2048x128xf32> to vector<2048x32xf32>
    %jit3A_146 = arith.constant 0.000000e+00 : f32
    %broadcast_in_dim3A_147 = vector.shape_cast %eq3A_144 : vector<2048x1xi1> to vector<2048x1xi1>
    %broadcast_in_dim3A_148 = vector.broadcast %broadcast_in_dim3A_147 : vector<2048x1xi1> to vector<2048x32xi1>
    %broadcast_in_dim3A_149 = vector.broadcast %jit3A_146 : f32 to vector<2048x32xf32>
    %select_n3A_150 = arith.select %broadcast_in_dim3A_148, %slice3A_145, %broadcast_in_dim3A_149 : vector<2048x32xi1>, vector<2048x32xf32>
    %eq3A_151 = arith.constant 1 : i32
    %eq3A_152 = vector.broadcast %eq3A_151 : i32 to vector<2048x1xi32>
    %eq3A_153 = arith.cmpi eq, %get3A_10, %eq3A_152 : vector<2048x1xi32>
    %slice3A_154 = vector.extract_strided_slice %get3A_141 {offsets = [0, 32], sizes = [2048, 32], strides = [1, 1]} : vector<2048x128xf32> to vector<2048x32xf32>
    %jit3A_155 = arith.constant 0.000000e+00 : f32
    %broadcast_in_dim3A_156 = vector.shape_cast %eq3A_153 : vector<2048x1xi1> to vector<2048x1xi1>
    %broadcast_in_dim3A_157 = vector.broadcast %broadcast_in_dim3A_156 : vector<2048x1xi1> to vector<2048x32xi1>
    %broadcast_in_dim3A_158 = vector.broadcast %jit3A_155 : f32 to vector<2048x32xf32>
    %select_n3A_159 = arith.select %broadcast_in_dim3A_157, %slice3A_154, %broadcast_in_dim3A_158 : vector<2048x32xi1>, vector<2048x32xf32>
    %add3A_160 = arith.addf %select_n3A_150, %select_n3A_159 : vector<2048x32xf32>
    %eq3A_161 = arith.constant 2 : i32
    %eq3A_162 = vector.broadcast %eq3A_161 : i32 to vector<2048x1xi32>
    %eq3A_163 = arith.cmpi eq, %get3A_10, %eq3A_162 : vector<2048x1xi32>
    %slice3A_164 = vector.extract_strided_slice %get3A_141 {offsets = [0, 64], sizes = [2048, 32], strides = [1, 1]} : vector<2048x128xf32> to vector<2048x32xf32>
    %jit3A_165 = arith.constant 0.000000e+00 : f32
    %broadcast_in_dim3A_166 = vector.shape_cast %eq3A_163 : vector<2048x1xi1> to vector<2048x1xi1>
    %broadcast_in_dim3A_167 = vector.broadcast %broadcast_in_dim3A_166 : vector<2048x1xi1> to vector<2048x32xi1>
    %broadcast_in_dim3A_168 = vector.broadcast %jit3A_165 : f32 to vector<2048x32xf32>
    %select_n3A_169 = arith.select %broadcast_in_dim3A_167, %slice3A_164, %broadcast_in_dim3A_168 : vector<2048x32xi1>, vector<2048x32xf32>
    %add3A_170 = arith.addf %add3A_160, %select_n3A_169 : vector<2048x32xf32>
    %eq3A_171 = arith.constant 3 : i32
    %eq3A_172 = vector.broadcast %eq3A_171 : i32 to vector<2048x1xi32>
    %eq3A_173 = arith.cmpi eq, %get3A_10, %eq3A_172 : vector<2048x1xi32>
    %slice3A_174 = vector.extract_strided_slice %get3A_141 {offsets = [0, 96], sizes = [2048, 32], strides = [1, 1]} : vector<2048x128xf32> to vector<2048x32xf32>
    %jit3A_175 = arith.constant 0.000000e+00 : f32
    %broadcast_in_dim3A_176 = vector.shape_cast %eq3A_173 : vector<2048x1xi1> to vector<2048x1xi1>
    %broadcast_in_dim3A_177 = vector.broadcast %broadcast_in_dim3A_176 : vector<2048x1xi1> to vector<2048x32xi1>
    %broadcast_in_dim3A_178 = vector.broadcast %jit3A_175 : f32 to vector<2048x32xf32>
    %select_n3A_179 = arith.select %broadcast_in_dim3A_177, %slice3A_174, %broadcast_in_dim3A_178 : vector<2048x32xi1>, vector<2048x32xf32>
    %add3A_180 = arith.addf %add3A_170, %select_n3A_179 : vector<2048x32xf32>
    %swap3A_181 = arith.constant 0 : index
    %swap3A_182 = arith.constant 0 : index
    %swap3A_183 = vector.load %arg10[%swap3A_181, %swap3A_182] : memref<2048x32xf32, #tpu.memory_space<vmem>>, vector<2048x32xf32>
    tpu.vector_store %arg10[%swap3A_181, %swap3A_182], %add3A_180 {strides = array<i32>} : memref<2048x32xf32, #tpu.memory_space<vmem>>, vector<2048x32xf32>,
    return
  }
  func.func @transform_0(%arg0: i32) -> (i32, i32) {
    %c0_i32 = arith.constant 0 : i32
    %c0_i32_0 = arith.constant 0 : i32
    return %arg0, %c0_i32 : i32, i32
  }
  func.func @transform_1(%arg0: i32) -> (i32, i32) {
    %c0_i32 = arith.constant 0 : i32
    %c0_i32_0 = arith.constant 0 : i32
    return %arg0, %c0_i32 : i32, i32
  }
  func.func @transform_2(%arg0: i32) -> (i32, i32) {
    %c0_i32 = arith.constant 0 : i32
    %c0_i32_0 = arith.constant 0 : i32
    return %arg0, %c0_i32 : i32, i32
  }
  func.func @transform_3(%arg0: i32) -> (i32, i32) {
    %c0_i32 = arith.constant 0 : i32
    %c0_i32_0 = arith.constant 0 : i32
    return %arg0, %c0_i32 : i32, i32
  }
  func.func @transform_4(%arg0: i32) -> (i32, i32) {
    %c0_i32 = arith.constant 0 : i32
    %c0_i32_0 = arith.constant 0 : i32
    return %arg0, %c0_i32 : i32, i32
  }
  func.func @transform_5(%arg0: i32) -> (i32, i32) {
    %c0_i32 = arith.constant 0 : i32
    %c0_i32_0 = arith.constant 0 : i32
    return %arg0, %c0_i32 : i32, i32
  }
  func.func @transform_6(%arg0: i32) -> (i32, i32) {
    %c0_i32 = arith.constant 0 : i32
    %c0_i32_0 = arith.constant 0 : i32
    return %arg0, %c0_i32 : i32, i32
  }
  func.func @transform_7(%arg0: i32) -> (i32, i32) {
    %c0_i32 = arith.constant 0 : i32
    %c0_i32_0 = arith.constant 0 : i32
    return %arg0, %c0_i32 : i32, i32
  }
  func.func @transform_8(%arg0: i32) -> (i32, i32) {
    %c0_i32 = arith.constant 0 : i32
    %c0_i32_0 = arith.constant 0 : i32
    return %arg0, %c0_i32 : i32, i32
  }
  func.func @transform_9(%arg0: i32) -> (i32, i32) {
    %c0_i32 = arith.constant 0 : i32
    %c0_i32_0 = arith.constant 0 : i32
    return %arg0, %c0_i32 : i32, i32
  }
}

module attributes {stable_mosaic.version = 14 : i64} {
  func.func @_tc_body(%arg0: memref<16384x32xf32, #tpu.memory_space<vmem>>, %arg1: memref<16384x32xf32, #tpu.memory_space<vmem>>, %arg2: memref<16384x32xf32, #tpu.memory_space<vmem>>, %arg3: memref<16384x32xf32, #tpu.memory_space<vmem>>, %arg4: memref<64x64xf32, #tpu.memory_space<vmem>>, %arg5: memref<1x64xf32, #tpu.memory_space<vmem>>, %arg6: memref<1x64xf32, #tpu.memory_space<vmem>>, %arg7: memref<1x64xf32, #tpu.memory_space<vmem>>, %arg8: memref<64x32xf32, #tpu.memory_space<vmem>>, %arg9: memref<1x32xf32, #tpu.memory_space<vmem>>, %arg10: memref<1x32xf32, #tpu.memory_space<vmem>>, %arg11: memref<1x32xf32, #tpu.memory_space<vmem>>, %arg12: memref<32x16xf32, #tpu.memory_space<vmem>>, %arg13: memref<1x16xf32, #tpu.memory_space<vmem>>, %arg14: memref<1x16xf32, #tpu.memory_space<vmem>>, %arg15: memref<1x16xf32, #tpu.memory_space<vmem>>, %arg16: memref<32x1xf32, #tpu.memory_space<vmem>>, %arg17: memref<16x1xf32, #tpu.memory_space<vmem>>, %arg18: memref<1x1xf32, #tpu.memory_space<vmem>>, %arg19: memref<16384x1xf32, #tpu.memory_space<vmem>>) attributes {dimension_semantics = [], scalar_prefetch = 0 : i64, scratch_operands = 0 : i64, tpu.core_type = #tpu.core_type<tc>} {
    %get3A = arith.constant 0 : index
    %get3A_0 = arith.constant 0 : index
    %get3A_1 = vector.load %arg2[%get3A, %get3A_0] : memref<16384x32xf32, #tpu.memory_space<vmem>>, vector<16384x32xf32>
    %get3A_2 = arith.constant 0 : index
    %get3A_3 = arith.constant 0 : index
    %get3A_4 = vector.load %arg3[%get3A_2, %get3A_3] : memref<16384x32xf32, #tpu.memory_space<vmem>>, vector<16384x32xf32>
    %concatenate3A = tpu.concatenate %get3A_1, %get3A_4 in 1 : vector<16384x32xf32>, vector<16384x32xf32> -> vector<16384x64xf32>
    %get3A_5 = arith.constant 0 : index
    %get3A_6 = arith.constant 0 : index
    %get3A_7 = vector.load %arg4[%get3A_5, %get3A_6] : memref<64x64xf32, #tpu.memory_space<vmem>>, vector<64x64xf32>
    %dot_general3A = arith.constant dense<0.000000e+00> : vector<16384x64xf32>
    %dot_general3A_8 = tpu.matmul %concatenate3A, %get3A_7, %dot_general3A {dimension_numbers = #tpu.dot_dimension_numbers<[1], [0], [0], [1], [0, 0, 1, 1], [], []>, transpose_lhs_hint = false} : vector<16384x64xf32>, vector<64x64xf32>, vector<16384x64xf32> -> vector<16384x64xf32>
    %get3A_9 = arith.constant 0 : index
    %get3A_10 = arith.constant 0 : index
    %get3A_11 = vector.load %arg5[%get3A_9, %get3A_10] : memref<1x64xf32, #tpu.memory_space<vmem>>, vector<1x64xf32>
    %add3A = vector.broadcast %get3A_11 : vector<1x64xf32> to vector<16384x64xf32>
    %add3A_12 = arith.addf %dot_general3A_8, %add3A : vector<16384x64xf32>
    %reduce_sum3A = arith.constant dense<0.000000e+00> : vector<64xf32>
    %reduce_sum3A_13 = vector.multi_reduction <add>, %add3A_12, %reduce_sum3A [0] : vector<16384x64xf32> to vector<64xf32>
    %broadcast_in_dim3A = vector.shape_cast %reduce_sum3A_13 : vector<64xf32> to vector<1x64xf32>
    %div3A = arith.constant 1.638400e+04 : f32
    %div3A_14 = vector.broadcast %div3A : f32 to vector<1x64xf32>
    %div3A_15 = arith.divf %broadcast_in_dim3A, %div3A_14 : vector<1x64xf32>
    %sub3A = vector.broadcast %div3A_15 : vector<1x64xf32> to vector<16384x64xf32>
    %sub3A_16 = arith.subf %add3A_12, %sub3A : vector<16384x64xf32>
    %integer_pow3A = arith.mulf %sub3A_16, %sub3A_16 : vector<16384x64xf32>
    %reduce_sum3A_17 = arith.constant dense<0.000000e+00> : vector<64xf32>
    %reduce_sum3A_18 = vector.multi_reduction <add>, %integer_pow3A, %reduce_sum3A_17 [0] : vector<16384x64xf32> to vector<64xf32>
    %broadcast_in_dim3A_19 = vector.shape_cast %reduce_sum3A_18 : vector<64xf32> to vector<1x64xf32>
    %div3A_20 = arith.constant 1.638400e+04 : f32
    %div3A_21 = vector.broadcast %div3A_20 : f32 to vector<1x64xf32>
    %div3A_22 = arith.divf %broadcast_in_dim3A_19, %div3A_21 : vector<1x64xf32>
    %sub3A_23 = vector.broadcast %div3A_15 : vector<1x64xf32> to vector<16384x64xf32>
    %sub3A_24 = arith.subf %add3A_12, %sub3A_23 : vector<16384x64xf32>
    %add3A_25 = arith.constant 9.99999974E-6 : f32
    %add3A_26 = vector.broadcast %add3A_25 : f32 to vector<1x64xf32>
    %add3A_27 = arith.addf %div3A_22, %add3A_26 : vector<1x64xf32>
    %rsqrt3A = math.rsqrt %add3A_27 : vector<1x64xf32>
    %mul3A = vector.broadcast %rsqrt3A : vector<1x64xf32> to vector<16384x64xf32>
    %mul3A_28 = arith.mulf %sub3A_24, %mul3A : vector<16384x64xf32>
    %get3A_29 = arith.constant 0 : index
    %get3A_30 = arith.constant 0 : index
    %get3A_31 = vector.load %arg6[%get3A_29, %get3A_30] : memref<1x64xf32, #tpu.memory_space<vmem>>, vector<1x64xf32>
    %mul3A_32 = vector.broadcast %get3A_31 : vector<1x64xf32> to vector<16384x64xf32>
    %mul3A_33 = arith.mulf %mul3A_28, %mul3A_32 : vector<16384x64xf32>
    %get3A_34 = arith.constant 0 : index
    %get3A_35 = arith.constant 0 : index
    %get3A_36 = vector.load %arg7[%get3A_34, %get3A_35] : memref<1x64xf32, #tpu.memory_space<vmem>>, vector<1x64xf32>
    %add3A_37 = vector.broadcast %get3A_36 : vector<1x64xf32> to vector<16384x64xf32>
    %add3A_38 = arith.addf %mul3A_33, %add3A_37 : vector<16384x64xf32>
    %max3A = arith.constant 0.000000e+00 : f32
    %max3A_39 = vector.broadcast %max3A : f32 to vector<16384x64xf32>
    %max3A_40 = arith.maximumf %add3A_38, %max3A_39 : vector<16384x64xf32>
    %get3A_41 = arith.constant 0 : index
    %get3A_42 = arith.constant 0 : index
    %get3A_43 = vector.load %arg8[%get3A_41, %get3A_42] : memref<64x32xf32, #tpu.memory_space<vmem>>, vector<64x32xf32>
    %dot_general3A_44 = arith.constant dense<0.000000e+00> : vector<16384x32xf32>
    %dot_general3A_45 = tpu.matmul %max3A_40, %get3A_43, %dot_general3A_44 {dimension_numbers = #tpu.dot_dimension_numbers<[1], [0], [0], [1], [0, 0, 1, 1], [], []>, transpose_lhs_hint = false} : vector<16384x64xf32>, vector<64x32xf32>, vector<16384x32xf32> -> vector<16384x32xf32>
    %get3A_46 = arith.constant 0 : index
    %get3A_47 = arith.constant 0 : index
    %get3A_48 = vector.load %arg9[%get3A_46, %get3A_47] : memref<1x32xf32, #tpu.memory_space<vmem>>, vector<1x32xf32>
    %add3A_49 = vector.broadcast %get3A_48 : vector<1x32xf32> to vector<16384x32xf32>
    %add3A_50 = arith.addf %dot_general3A_45, %add3A_49 : vector<16384x32xf32>
    %reduce_sum3A_51 = arith.constant dense<0.000000e+00> : vector<32xf32>
    %reduce_sum3A_52 = vector.multi_reduction <add>, %add3A_50, %reduce_sum3A_51 [0] : vector<16384x32xf32> to vector<32xf32>
    %broadcast_in_dim3A_53 = vector.shape_cast %reduce_sum3A_52 : vector<32xf32> to vector<1x32xf32>
    %div3A_54 = arith.constant 1.638400e+04 : f32
    %div3A_55 = vector.broadcast %div3A_54 : f32 to vector<1x32xf32>
    %div3A_56 = arith.divf %broadcast_in_dim3A_53, %div3A_55 : vector<1x32xf32>
    %sub3A_57 = vector.broadcast %div3A_56 : vector<1x32xf32> to vector<16384x32xf32>
    %sub3A_58 = arith.subf %add3A_50, %sub3A_57 : vector<16384x32xf32>
    %integer_pow3A_59 = arith.mulf %sub3A_58, %sub3A_58 : vector<16384x32xf32>
    %reduce_sum3A_60 = arith.constant dense<0.000000e+00> : vector<32xf32>
    %reduce_sum3A_61 = vector.multi_reduction <add>, %integer_pow3A_59, %reduce_sum3A_60 [0] : vector<16384x32xf32> to vector<32xf32>
    %broadcast_in_dim3A_62 = vector.shape_cast %reduce_sum3A_61 : vector<32xf32> to vector<1x32xf32>
    %div3A_63 = arith.constant 1.638400e+04 : f32
    %div3A_64 = vector.broadcast %div3A_63 : f32 to vector<1x32xf32>
    %div3A_65 = arith.divf %broadcast_in_dim3A_62, %div3A_64 : vector<1x32xf32>
    %sub3A_66 = vector.broadcast %div3A_56 : vector<1x32xf32> to vector<16384x32xf32>
    %sub3A_67 = arith.subf %add3A_50, %sub3A_66 : vector<16384x32xf32>
    %add3A_68 = arith.constant 9.99999974E-6 : f32
    %add3A_69 = vector.broadcast %add3A_68 : f32 to vector<1x32xf32>
    %add3A_70 = arith.addf %div3A_65, %add3A_69 : vector<1x32xf32>
    %rsqrt3A_71 = math.rsqrt %add3A_70 : vector<1x32xf32>
    %mul3A_72 = vector.broadcast %rsqrt3A_71 : vector<1x32xf32> to vector<16384x32xf32>
    %mul3A_73 = arith.mulf %sub3A_67, %mul3A_72 : vector<16384x32xf32>
    %get3A_74 = arith.constant 0 : index
    %get3A_75 = arith.constant 0 : index
    %get3A_76 = vector.load %arg10[%get3A_74, %get3A_75] : memref<1x32xf32, #tpu.memory_space<vmem>>, vector<1x32xf32>
    %mul3A_77 = vector.broadcast %get3A_76 : vector<1x32xf32> to vector<16384x32xf32>
    %mul3A_78 = arith.mulf %mul3A_73, %mul3A_77 : vector<16384x32xf32>
    %get3A_79 = arith.constant 0 : index
    %get3A_80 = arith.constant 0 : index
    %get3A_81 = vector.load %arg11[%get3A_79, %get3A_80] : memref<1x32xf32, #tpu.memory_space<vmem>>, vector<1x32xf32>
    %add3A_82 = vector.broadcast %get3A_81 : vector<1x32xf32> to vector<16384x32xf32>
    %add3A_83 = arith.addf %mul3A_78, %add3A_82 : vector<16384x32xf32>
    %max3A_84 = arith.constant 0.000000e+00 : f32
    %max3A_85 = vector.broadcast %max3A_84 : f32 to vector<16384x32xf32>
    %max3A_86 = arith.maximumf %add3A_83, %max3A_85 : vector<16384x32xf32>
    %get3A_87 = arith.constant 0 : index
    %get3A_88 = arith.constant 0 : index
    %get3A_89 = vector.load %arg12[%get3A_87, %get3A_88] : memref<32x16xf32, #tpu.memory_space<vmem>>, vector<32x16xf32>
    %dot_general3A_90 = arith.constant dense<0.000000e+00> : vector<16384x16xf32>
    %dot_general3A_91 = tpu.matmul %max3A_86, %get3A_89, %dot_general3A_90 {dimension_numbers = #tpu.dot_dimension_numbers<[1], [0], [0], [1], [0, 0, 1, 1], [], []>, transpose_lhs_hint = false} : vector<16384x32xf32>, vector<32x16xf32>, vector<16384x16xf32> -> vector<16384x16xf32>
    %get3A_92 = arith.constant 0 : index
    %get3A_93 = arith.constant 0 : index
    %get3A_94 = vector.load %arg13[%get3A_92, %get3A_93] : memref<1x16xf32, #tpu.memory_space<vmem>>, vector<1x16xf32>
    %add3A_95 = vector.broadcast %get3A_94 : vector<1x16xf32> to vector<16384x16xf32>
    %add3A_96 = arith.addf %dot_general3A_91, %add3A_95 : vector<16384x16xf32>
    %reduce_sum3A_97 = arith.constant dense<0.000000e+00> : vector<16xf32>
    %reduce_sum3A_98 = vector.multi_reduction <add>, %add3A_96, %reduce_sum3A_97 [0] : vector<16384x16xf32> to vector<16xf32>
    %broadcast_in_dim3A_99 = vector.shape_cast %reduce_sum3A_98 : vector<16xf32> to vector<1x16xf32>
    %div3A_100 = arith.constant 1.638400e+04 : f32
    %div3A_101 = vector.broadcast %div3A_100 : f32 to vector<1x16xf32>
    %div3A_102 = arith.divf %broadcast_in_dim3A_99, %div3A_101 : vector<1x16xf32>
    %sub3A_103 = vector.broadcast %div3A_102 : vector<1x16xf32> to vector<16384x16xf32>
    %sub3A_104 = arith.subf %add3A_96, %sub3A_103 : vector<16384x16xf32>
    %integer_pow3A_105 = arith.mulf %sub3A_104, %sub3A_104 : vector<16384x16xf32>
    %reduce_sum3A_106 = arith.constant dense<0.000000e+00> : vector<16xf32>
    %reduce_sum3A_107 = vector.multi_reduction <add>, %integer_pow3A_105, %reduce_sum3A_106 [0] : vector<16384x16xf32> to vector<16xf32>
    %broadcast_in_dim3A_108 = vector.shape_cast %reduce_sum3A_107 : vector<16xf32> to vector<1x16xf32>
    %div3A_109 = arith.constant 1.638400e+04 : f32
    %div3A_110 = vector.broadcast %div3A_109 : f32 to vector<1x16xf32>
    %div3A_111 = arith.divf %broadcast_in_dim3A_108, %div3A_110 : vector<1x16xf32>
    %sub3A_112 = vector.broadcast %div3A_102 : vector<1x16xf32> to vector<16384x16xf32>
    %sub3A_113 = arith.subf %add3A_96, %sub3A_112 : vector<16384x16xf32>
    %add3A_114 = arith.constant 9.99999974E-6 : f32
    %add3A_115 = vector.broadcast %add3A_114 : f32 to vector<1x16xf32>
    %add3A_116 = arith.addf %div3A_111, %add3A_115 : vector<1x16xf32>
    %rsqrt3A_117 = math.rsqrt %add3A_116 : vector<1x16xf32>
    %mul3A_118 = vector.broadcast %rsqrt3A_117 : vector<1x16xf32> to vector<16384x16xf32>
    %mul3A_119 = arith.mulf %sub3A_113, %mul3A_118 : vector<16384x16xf32>
    %get3A_120 = arith.constant 0 : index
    %get3A_121 = arith.constant 0 : index
    %get3A_122 = vector.load %arg14[%get3A_120, %get3A_121] : memref<1x16xf32, #tpu.memory_space<vmem>>, vector<1x16xf32>
    %mul3A_123 = vector.broadcast %get3A_122 : vector<1x16xf32> to vector<16384x16xf32>
    %mul3A_124 = arith.mulf %mul3A_119, %mul3A_123 : vector<16384x16xf32>
    %get3A_125 = arith.constant 0 : index
    %get3A_126 = arith.constant 0 : index
    %get3A_127 = vector.load %arg15[%get3A_125, %get3A_126] : memref<1x16xf32, #tpu.memory_space<vmem>>, vector<1x16xf32>
    %add3A_128 = vector.broadcast %get3A_127 : vector<1x16xf32> to vector<16384x16xf32>
    %add3A_129 = arith.addf %mul3A_124, %add3A_128 : vector<16384x16xf32>
    %max3A_130 = arith.constant 0.000000e+00 : f32
    %max3A_131 = vector.broadcast %max3A_130 : f32 to vector<16384x16xf32>
    %max3A_132 = arith.maximumf %add3A_129, %max3A_131 : vector<16384x16xf32>
    %get3A_133 = arith.constant 0 : index
    %get3A_134 = arith.constant 0 : index
    %get3A_135 = vector.load %arg0[%get3A_133, %get3A_134] : memref<16384x32xf32, #tpu.memory_space<vmem>>, vector<16384x32xf32>
    %get3A_136 = arith.constant 0 : index
    %get3A_137 = arith.constant 0 : index
    %get3A_138 = vector.load %arg1[%get3A_136, %get3A_137] : memref<16384x32xf32, #tpu.memory_space<vmem>>, vector<16384x32xf32>
    %mul3A_139 = arith.mulf %get3A_135, %get3A_138 : vector<16384x32xf32>
    %get3A_140 = arith.constant 0 : index
    %get3A_141 = arith.constant 0 : index
    %get3A_142 = vector.load %arg16[%get3A_140, %get3A_141] : memref<32x1xf32, #tpu.memory_space<vmem>>, vector<32x1xf32>
    %dot_general3A_143 = arith.constant dense<0.000000e+00> : vector<16384x1xf32>
    %dot_general3A_144 = tpu.matmul %mul3A_139, %get3A_142, %dot_general3A_143 {dimension_numbers = #tpu.dot_dimension_numbers<[1], [0], [0], [1], [0, 0, 1, 1], [], []>, transpose_lhs_hint = false} : vector<16384x32xf32>, vector<32x1xf32>, vector<16384x1xf32> -> vector<16384x1xf32>
    %get3A_145 = arith.constant 0 : index
    %get3A_146 = arith.constant 0 : index
    %get3A_147 = vector.load %arg17[%get3A_145, %get3A_146] : memref<16x1xf32, #tpu.memory_space<vmem>>, vector<16x1xf32>
    %dot_general3A_148 = arith.constant dense<0.000000e+00> : vector<16384x1xf32>
    %dot_general3A_149 = tpu.matmul %max3A_132, %get3A_147, %dot_general3A_148 {dimension_numbers = #tpu.dot_dimension_numbers<[1], [0], [0], [1], [0, 0, 1, 1], [], []>, transpose_lhs_hint = false} : vector<16384x16xf32>, vector<16x1xf32>, vector<16384x1xf32> -> vector<16384x1xf32>
    %add3A_150 = arith.addf %dot_general3A_144, %dot_general3A_149 : vector<16384x1xf32>
    %get3A_151 = arith.constant 0 : index
    %get3A_152 = arith.constant 0 : index
    %get3A_153 = vector.load %arg18[%get3A_151, %get3A_152] : memref<1x1xf32, #tpu.memory_space<vmem>>, vector<1x1xf32>
    %add3A_154 = vector.broadcast %get3A_153 : vector<1x1xf32> to vector<16384x1xf32>
    %add3A_155 = arith.addf %add3A_150, %add3A_154 : vector<16384x1xf32>
    %neg3A = arith.constant 0.000000e+00 : f32
    %neg3A_156 = vector.broadcast %neg3A : f32 to vector<16384x1xf32>
    %neg3A_157 = arith.subf %neg3A_156, %add3A_155 : vector<16384x1xf32>
    %exp3A = math.exp %neg3A_157 : vector<16384x1xf32>
    %add3A_158 = arith.constant 1.000000e+00 : f32
    %add3A_159 = vector.broadcast %add3A_158 : f32 to vector<16384x1xf32>
    %add3A_160 = arith.addf %add3A_159, %exp3A : vector<16384x1xf32>
    %div3A_161 = arith.constant 1.000000e+00 : f32
    %div3A_162 = vector.broadcast %div3A_161 : f32 to vector<16384x1xf32>
    %div3A_163 = arith.divf %div3A_162, %add3A_160 : vector<16384x1xf32>
    %swap3A = arith.constant 0 : index
    %swap3A_164 = arith.constant 0 : index
    %swap3A_165 = vector.load %arg19[%swap3A, %swap3A_164] : memref<16384x1xf32, #tpu.memory_space<vmem>>, vector<16384x1xf32>
    tpu.vector_store %arg19[%swap3A, %swap3A_164], %div3A_163 {strides = array<i32>} : memref<16384x1xf32, #tpu.memory_space<vmem>>, vector<16384x1xf32>,
    return
  }
}

</mosaic_0001>

<sc_bundles>
// kernel: kernel.6.cloned.1.call-start
scs
__scs_entry_jumppad:
0x0: {  	(pc) =	sbr.rel $0x88, $3  }
0x1: {  	(tag) =	ssettag $0x0;
	lr =	simm.s32 $0x1  }
0x2: {  	[smem:$0x3F8D] =	sst lr;
	_ =	strace $0xD0000000  }
0x3: {  	_ = 	snop  }
0x4: {  	_ = 	snop  }
0x5: {  	_ = 	snop  }
0x6: {  	_ = 	snop  }
0x7: {  	_ = 	snop  }
__scs_overlays_trampoline_lowered:
0x8: {  	[smem:$0x3F9C] =	sst s0  }
0x9: {  	[smem:$0x3F9D] =	sst s1  }
0xa: {  	[smem:$0x3F9E] =	sst s2  }
0xb: {  	[smem:$0x3F9F] =	sst s3  }
0xc: {  	[smem:$0x3FA0] =	sst s4  }
0xd: {  	[smem:$0x3FA1] =	sst s5  }
0xe: {  	[smem:$0x3FA2] =	sst s6  }
0xf: {  	[smem:$0x3FA3] =	sst s7  }
0x10: {  	[smem:$0x3FA4] =	sst s8  }
0x11: {  	[smem:$0x3FA5] =	sst s9;
	s0 =	simm.s32 @!p0 $0x0  }
0x12: {  	s1 =	sld [smem:$0x3F8B];
	s0 =	simm.s32 @p0 $0x1  }
0x13: {  	[smem:$0x3FA6] =	sst s0;
	s0 =	simm.s32 @!p1 $0x0  }
0x14: {  	s2 =	sld [smem:$0x3F8A];
	s0 =	simm.s32 @p1 $0x1  }
0x15: {  	[smem:$0x3FA7] =	sst s0;
	s0 =	simm.s32 @!p2 $0x0  }
0x16: {  	s3 =	sld [smem:$0x3FDB];
	s0 =	simm.s32 @p2 $0x1  }
0x17: {  	s4 =	simm.s32 $0x1BF5;
	[smem:$0x3FA9] =	sst s0  }
0x18: {  	s0 =	sld [smem:$0x3F8C];
	_ =	swait.ge [sflag:s4], $0x0  }
0x19: {  	s7 =	sld [smem:$0x3F8D]  }
0x1a: {  	s8 =	sadd.s32 $0xFFFFE003, lr  }
0x1b: {  	s9 =	sadd.s32 $0xFFFFFEF7, lr;
	s5 =	simm.s32 $0xFFFFFFFF;
	p2 =	slt.u32 s8, $0xFFFFF086  }
0x1c: {  	p1 =	slt.u32 s9, $0xF7A;
	s5 =	simm.s32 @!p2 $0x0  }
0x1d: {  	s5 =	simm.s32 @p1 $0x1;
	p0 =	seq.s32 s7, s2  }
0x1e: {  	s7 =	smul.u32 @!p0 $0xF7A, s2;
	p2 =	seq.s32 @!p0 s5, $0x0  }
0x1f: {  	s9 =	smul.u32 $0xF7A, s1;
	s8 =	simm.s32 @!p0 $0x1BF5;
	p2 =	por !p2, p0  }
0x20: {  	[sflag:s8] =	ssyncset.s32 @!p0 $0xFFFFF086;
	s6 =	sadd.s32 @!p0 s3, s7;
	s7 =	simm.s32 @!p0 $0x108  }
0x21: {  	s3 =	sadd.s32 s3, s9;
	s6 =	sadd.s32 @!p0 $0x88, s6;
	s7 =	simm.s32 @p2 $0x1082  }
0x22: {  	[simem:s7], [sflag:s8] =	dma.local @!p0 [hbm:s6], $0xF7A  }
0x23: {  	s9 =	sor.u32 $0xD0000000, s2;
	s6 =	simm.s32 $0x108;
	_ =	swait.ge @!p0 [sflag:s8], $0x0  }
0x24: {  	s3 =	sadd.s32 $0x88, s3;
	s6 =	simm.s32 @!p1 $0x1082;
	[sflag:s4] =	ssyncset.s32 $0xFFFFF086  }
0x25: {  	[simem:s6], [sflag:s4] =	dma.local [hbm:s3], $0xF7A  }
0x26: {  	[smem:$0x3F8D] =	sst s1;
	(tag) =	ssettag s2;
	_ =	strace s9  }
0x27: {  	s1 =	sld [smem:$0x3F9D]  }
0x28: {  	s2 =	sld [smem:$0x3F9E]  }
0x29: {  	s4 =	sld [smem:$0x3FA0]  }
0x2a: {  	p0 =	seq.s32 s5, $0x0;
	s5 =	sld [smem:$0x3FA1]  }
0x2b: {  	s6 =	sld [smem:$0x3FA2]  }
0x2c: {  	s7 =	sld [smem:$0x3FA3]  }
0x2d: {  	s3 =	simm.s32 $0x108;
	s8 =	sld [smem:$0x3FA4]  }
0x2e: {  	s3 =	simm.s32 @!p0 $0x1082;
	s9 =	sld [smem:$0x3FA5]  }
0x2f: {  	lr =	sadd.s32 s0, s3;
	s0 =	sld [smem:$0x3F9C]  }
0x30: {  	s3 =	sld [smem:$0x3F9F]  }
0x31: {  	[smem:$0x3FA8] =	sst s10  }
0x32: {  	s10 =	sld [smem:$0x3FA6];
	_ =	sdelay $0x3  }
0x33: {  	p0 =	seq.s32 s10, $0x1;
	s10 =	sld [smem:$0x3FA8];
	_ =	sdelay $0x3  }
0x34: {  	[smem:$0x3FA8] =	sst s10  }
0x35: {  	s10 =	sld [smem:$0x3FA7];
	_ =	sdelay $0x3  }
0x36: {  	p1 =	seq.s32 s10, $0x1;
	s10 =	sld [smem:$0x3FA8];
	_ =	sdelay $0x3  }
0x37: {  	[smem:$0x3FA8] =	sst s10  }
0x38: {  	s10 =	sld [smem:$0x3FA9]  }
0x39: {  	_ = 	snop;
	(pc) =	sbr.ind lr, $3  }
0x3a: {  	_ = 	snop  }
0x3b: {  	_ = 	snop  }
0x3c: {  	p2 =	seq.s32 s10, $0x1;
	s10 =	sld [smem:$0x3FA8]  }
0x3d: {  	_ =	shalt  }
0x3e: {  	_ =	shalt  }
0x3f: {  	_ =	shalt  }
0x40: {  	_ =	shalt  }
0x41: {  	_ =	shalt  }
0x42: {  	_ =	shalt  }
0x43: {  	_ =	shalt  }
0x44: {  	_ =	shalt  }
0x45: {  	_ =	shalt  }
0x46: {  	_ =	shalt  }
0x47: {  	_ =	shalt  }
0x48: {  	_ =	shalt  }
0x49: {  	_ =	shalt  }
0x4a: {  	_ =	shalt  }
0x4b: {  	_ =	shalt  }
0x4c: {  	_ =	shalt  }
0x4d: {  	_ =	shalt  }
0x4e: {  	_ =	shalt  }
0x4f: {  	_ =	shalt  }
0x50: {  	_ =	shalt  }
0x51: {  	_ =	shalt  }
0x52: {  	_ =	shalt  }
0x53: {  	_ =	shalt  }
0x54: {  	_ =	shalt  }
0x55: {  	_ =	shalt  }
0x56: {  	_ =	shalt  }
0x57: {  	_ =	shalt  }
0x58: {  	_ =	shalt  }
0x59: {  	_ =	shalt  }
0x5a: {  	_ =	shalt  }
0x5b: {  	_ =	shalt  }
0x5c: {  	_ =	shalt  }
0x5d: {  	_ =	shalt  }
0x5e: {  	_ =	shalt  }
0x5f: {  	_ =	shalt  }
0x60: {  	_ =	shalt  }
0x61: {  	_ =	shalt  }
0x62: {  	_ =	shalt  }
0x63: {  	_ =	shalt  }
0x64: {  	_ =	shalt  }
0x65: {  	_ =	shalt  }
0x66: {  	_ =	shalt  }
0x67: {  	_ =	shalt  }
0x68: {  	_ =	shalt  }
0x69: {  	_ =	shalt  }
0x6a: {  	_ =	shalt  }
0x6b: {  	_ =	shalt  }
0x6c: {  	_ =	shalt  }
0x6d: {  	_ =	shalt  }
0x6e: {  	_ =	shalt  }
0x6f: {  	_ =	shalt  }
0x70: {  	_ =	shalt  }
0x71: {  	_ =	shalt  }
0x72: {  	_ =	shalt  }
0x73: {  	_ =	shalt  }
0x74: {  	_ =	shalt  }
0x75: {  	_ =	shalt  }
0x76: {  	_ =	shalt  }
0x77: {  	_ =	shalt  }
0x78: {  	_ =	shalt  }
0x79: {  	_ =	shalt  }
0x7a: {  	_ =	shalt  }
0x7b: {  	_ =	shalt  }
0x7c: {  	_ =	shalt  }
0x7d: {  	_ =	shalt  }
0x7e: {  	_ =	shalt  }
0x7f: {  	_ =	shalt  }
0x80: {  	_ =	shalt  }
0x81: {  	_ =	shalt  }
0x82: {  	_ =	shalt  }
0x83: {  	_ =	shalt  }
0x84: {  	_ =	shalt  }
0x85: {  	_ =	shalt  }
0x86: {  	_ =	shalt  }
0x87: {  	_ =	shalt  }
.Lfunc_end0:
.L_simem_size_0:
called_computation_lowered:
.L_overlay_start_0:
0x88: {  	s2 =	sld [smem:$0x3FD9]  }
0x89: {  	s3 =	sld [smem:$0x3FFE];
	_ =	sdelay $0x1  }
0x8a: {  	s1 =	srdreg.scid  }
0x8b: {  	s0 =	sand.u32 $0x1, s1  }
0x8c: {  	s17 =	sshll.u32 s0, $0xA;
	s2 =	sadd.s32 s3, s2  }
0x8d: {  	s2 =	sadd.s32 s2, s17  }
0x8e: {  	[smem:$0x3FB4] =	sst s2  }
0x8f: {  	_ = 	snop  }
0x90: {  	s2 =	sld [smem:$0x3FC9]  }
0x91: {  	s18 =	sld [smem:$0x3FC8];
	(tm) =	ssettm $0x1  }
0x92: {  	s4 =	sld [smem:$0x3FFB];
	_ =	sdelay $0x3  }
0x93: {  	_ =	strace s4  }
0x94: {  	s4 =	sld [smem:$0x3FFC];
	_ =	sdelay $0x3  }
0x95: {  	_ =	strace s4  }
0x96: {  	s4 =	sld [smem:$0x3FFD];
	_ =	sdelay $0x3  }
0x97: {  	_ =	strace s4  }
0x98: {  	_ =	strace $0x8FFFFFFF  }
0x99: {  	s19 =	sld [smem:$0x3FDB];
	_ =	sdelay $0x1  }
0x9a: {  	s5 =	simm.s32 $_scs_section_size  }
0x9b: {  	s6 =	simm.s32 $_size__tile_overlayer_lowered;
	s7 =	simm.s32 $_tile_overlayer_lowered  }
0x9c: {  	s22 =	simm.s32 $0x1BFF;
	s21 =	sshll.u32 s7, $0x1;
	s4 =	sadd.s32 s5, s19  }
0x9d: {  	s8 =	simm.s32 $0x0;
	s20 =	sshll.u32 s6, $0x1;
	s6 =	sadd.s32 s21, s4  }
0x9e: {  	[timem:s8], [sflag:s22] =	dma.local [hbm:s6], s20  }
0x9f: {  	_ =	swait.ge [sflag:s22], s20  }
0xa0: {  	s5 =	ssub.s32 $0x0, s20;
	[sflag:s22] =	ssyncset.done $0x0  }
0xa1: {  	[sflag:s22] =	ssyncadd.s32 s5;
	_ =	sdelay $0x1  }
0xa2: {  	s23 =	simm.s32 $0x1B8B  }
0xa3: {  	_ =	swait.ge [sflag:s23], $0x1  }
0xa4: {  	[sflag:s23] =	ssyncset.done $0x0  }
0xa5: {  	s25 =	simm.s32 $0x1B8E;
	s24 =	sld [smem:$0x3FFE];
	[sflag:s23] =	ssyncadd.s32 $0xFFFFFFFF  }
0xa6: {  	s26 =	simm.s32 $execute0_lowered;
	[smem:$0x3FD2] =	sst s25  }
0xa7: {  	s6 =	sshll.u32 s26, $0x1;
	_ =	strace $0x80000046;
	[dreg:$0x1] =	wrdreg $0xFFFFFFFF  }
0xa8: {  	s28 =	simm.s32 $_size_execute0_lowered;
	s4 =	sadd.s32 s4, s6;
	[dreg:$0x0] =	wrdreg $0x0  }
0xa9: {  	s6 =	sshll.u32 s28, $0x1;
	[dreg:$0x2] =	wrdreg s4  }
0xaa: {  	[dreg:$0x3] =	wrdreg s6  }
0xab: {  	[dreg:$0x4] =	wrdreg $0xC0  }
0xac: {  	_ =	task [dreg:s8], $0x5FFFF  }
0xad: {  	[dreg:$0x1] =	wrdreg $0xFFFFFFFF  }
0xae: {  	[dreg:$0x0] =	wrdreg $0x60  }
0xaf: {  	[dreg:$0x2] =	wrdreg s2  }
0xb0: {  	[dreg:$0x3] =	wrdreg s18  }
0xb1: {  	[dreg:$0x4] =	wrdreg s24  }
0xb2: {  	[dreg:$0x5] =	wrdreg $0x9  }
0xb3: {  	_ =	task.clear_ibuf [dreg:s8], $0x6FFFF;
	_ =	strace $0x90000046  }
0xb4: {  	s29 =	simm.s32 $0x9;
	_ =	strace $0x80000048  }
0xb5: {  	_ =	swait.ge [sflag:s29], $0x1  }
0xb6: {  	[sflag:s29] =	ssyncadd.s32 $0xFFFFFFFF  }
0xb7: {  	_ =	strace $0x90000048  }
0xb8: {  	_ =	sfence  }
0xb9: {  	s30 =	sld [smem:$0x0];
	_ =	sdelay $0x2  }
0xba: {  	s31 =	sshll.u32 s1, $0xD;
	s1 =	sshrl.u32 s1, $0x2  }
0xbb: {  	s3 =	sand.u32 $0x4000, s31;
	s1 =	sadd.s32 s1, s30  }
0xbc: {  	s0 =	sor.u32 s3, s0;
	s1 =	sshll.u32 s1, $0x11  }
0xbd: {  	s0 =	sor.u32 s1, s0  }
0xbe: {  	s0 =	sadd.s32 $0x8F2B, s0  }
0xbf: {  	[sflag:s0] =	ssyncadd.remote.s32 $0x1  }
0xc0: {  	_ =	sfence.sel $0xFFFF  }
0xc1: {  	[dreg:$0x0] =	wrdreg $0xFFFFFFFF;
	(pc) =	sbr.abs _section_cstart, $3  }
0xc2: {  	[dreg:$0x1] =	wrdreg $0xFFFFFFFF  }
0xc3: {  	_ =	task.clear_ibuf [dreg:s8], $0x2FFFF;
	_ =	strace $0x9FFFFFFF  }
0xc4: {  	(tm) =	ssettm $0x7FFFFFFF  }
0xc5: {  	_ =	shalt  }
tec
execute0_lowered:
.L_overlay_start_1:
0x0: {  	(tag) =	ssettag $0x1  }
0x1: {  	s7 =	rddreg [dreg:$0x0]  }
0x2: {  	s8 =	rddreg [dreg:$0x1]  }
0x3: {  	s9 =	rddreg [dreg:$0x2]  }
0x4: {  	s0 =	rddreg [dreg:$0x3];
	s1 =	simm.s32 $0x0;
	s2 =	stileid.u32  }
0x5: {  	s10 =	srdreg.scid;
	s15 =	simm.s32 $0x200;
	s16 =	simm.s32 $0x80  }
0x6: {  	s17 =	simm.s32 $0x400;
	s18 =	simm.s32 $0x480;
	s19 =	simm.s32 $0x1  }
0x7: {  	s20 =	simm.s32 $0x0;
	[smem:$0x7FF] =	sst s1;
	s4 =	sadd.s32 $0x3E1600, s9  }
0x8: {  	s3 =	sadd.s32 $0x1600, s9;
	s5 =	sadd.s32 $0x7C1600, s9;
	s6 =	sadd.s32 $0xBA1600, s9  }
0x9: {  	s11 =	sshll.u32 s2, $0xE;
	s10 =	sand.u32 $0x1, s10;
	s13 =	sshll.u32 s2, $0xA  }
0xa: {  	_ =	strace $0x80000047;
	s12 =	ssub.s32 $0x2, s10;
	s14 =	sshll.u32 s10, $0x9  }
0xb: {  	s9 =	sadd.s32 s11, s9;
	s10 =	sshll.u32 s10, $0xD;
	s29 =	sshrl.u32 s12, $0x1  }
0xc: {  	s13 =	sor.u32 s14, s13;
	s31 =	sadd.s32 s10, s9;
	s14 =	simm.s32 $0x2  }
0xd: {  	s11 =	ssub.s32 s12, s29;
	s30 =	sshrl.u32 s13, $0x3;
	s10 =	sadd.s32 $0xF81600, s31  }
0xe: {  	s12 =	sadd.s32 $0x1001600, s31;
	s13 =	sadd.s32 $0x1041600, s31;
	s7 =	sadd.s32 s7, s30  }
0xf: {  	s8 =	sadd.s32 s8, s30;
	s9 =	smax.u32 s11, $0x1;
	s11 =	sadd.s32 $0xFC1600, s31  }
.LBB2_1:
0x10: {  	[tilespmem:s1], [sflag:$0x2] =	stream.linear.gather [hbm4b:s7+s1], $0x200, $0x38;
	[tilespmem:$0x4480] =	vst v63  }
0x11: {  	_ =	swait.ge [sflag:s14], $0x200  }
0x12: {  	[sflag:s14] =	ssyncset.done $0x0  }
0x13: {  	[sflag:s14] =	ssyncadd.s32 $0xFFFFFE00  }
0x14: {  	[tilespmem:s15], [sflag:$0x2] =	stream.linear.gather [hbm4b:s8+s1], $0x200, $0x38;
	[tilespmem:$0x4480] =	vst v63  }
0x15: {  	_ =	swait.ge [sflag:s14], $0x200  }
0x16: {  	[sflag:s14] =	ssyncset.done $0x0  }
0x17: {  	s22 =	simm.s32 $0x40;
	[sflag:s14] =	ssyncadd.s32 $0xFFFFFE00  }
0x18: {  	v0 =	vld [tilespmem:s22+$0xFFFFFFC0];
	_ =	sdelay $0x4  }
0x19: {  	v1 =	vshra.s32 v0, $0x2  }
0x1a: {  	v0 =	vand.u32 $0xFFF, v0;
	v1 =	vand.u32 $0xFFFFF000, v1  }
0x1b: {  	v0 =	vor.u32 v0, v1  }
0x1c: {  	[tilespmem:$0x400] =	vst v0  }
0x1d: {  	v0 =	vld [tilespmem:s22+$0xFFFFFFD0];
	_ =	sdelay $0x4  }
0x1e: {  	v57 =	vshra.s32 v0, $0x2  }
0x1f: {  	v0 =	vand.u32 $0xFFF, v0;
	v1 =	vand.u32 $0xFFFFF000, v57  }
0x20: {  	v0 =	vor.u32 v0, v1  }
0x21: {  	[tilespmem:$0x410] =	vst v0  }
0x22: {  	v0 =	vld [tilespmem:s22+$0xFFFFFFE0];
	_ =	sdelay $0x4  }
0x23: {  	v58 =	vshra.s32 v0, $0x2  }
0x24: {  	v0 =	vand.u32 $0xFFF, v0;
	v1 =	vand.u32 $0xFFFFF000, v58  }
0x25: {  	v0 =	vor.u32 v0, v1  }
0x26: {  	[tilespmem:$0x420] =	vst v0  }
0x27: {  	v0 =	vld [tilespmem:s22+$0xFFFFFFF0];
	_ =	sdelay $0x4  }
0x28: {  	v59 =	vshra.s32 v0, $0x2  }
0x29: {  	v0 =	vand.u32 $0xFFF, v0;
	v1 =	vand.u32 $0xFFFFF000, v59  }
0x2a: {  	v0 =	vor.u32 v0, v1  }
0x2b: {  	[tilespmem:$0x430] =	vst v0  }
0x2c: {  	v0 =	vld [tilespmem:s22+$0x0];
	_ =	sdelay $0x4  }
0x2d: {  	v60 =	vshra.s32 v0, $0x2  }
0x2e: {  	v0 =	vand.u32 $0xFFF, v0;
	v1 =	vand.u32 $0xFFFFF000, v60  }
0x2f: {  	v0 =	vor.u32 v0, v1  }
0x30: {  	[tilespmem:$0x440] =	vst v0  }
0x31: {  	v0 =	vld [tilespmem:s22+$0x10];
	_ =	sdelay $0x4  }
0x32: {  	v61 =	vshra.s32 v0, $0x2  }
0x33: {  	v0 =	vand.u32 $0xFFF, v0;
	v1 =	vand.u32 $0xFFFFF000, v61  }
0x34: {  	v0 =	vor.u32 v0, v1  }
0x35: {  	[tilespmem:$0x450] =	vst v0  }
0x36: {  	v0 =	vld [tilespmem:s22+$0x20];
	_ =	sdelay $0x4  }
0x37: {  	v62 =	vshra.s32 v0, $0x2  }
0x38: {  	v0 =	vand.u32 $0xFFF, v0;
	v1 =	vand.u32 $0xFFFFF000, v62  }
0x39: {  	v0 =	vor.u32 v0, v1  }
0x3a: {  	[tilespmem:$0x460] =	vst v0  }
0x3b: {  	v0 =	vld [tilespmem:s22+$0x30];
	_ =	sdelay $0x4  }
0x3c: {  	v63 =	vshra.s32 v0, $0x2  }
0x3d: {  	v0 =	vand.u32 $0xFFF, v0;
	v1 =	vand.u32 $0xFFFFF000, v63  }
0x3e: {  	v0 =	vor.u32 v0, v1  }
0x3f: {  	[tilespmem:$0x470] =	vst v0  }
0x40: {  	[tilespmem:s18], [sflag:$0x1] =	stream.indirect.gather [hbm4b:s3+s16], $0x80, s17, s16, $0xb8;
	[tilespmem:$0x4480] =	vst v63  }
0x41: {  	_ =	swait.ge [sflag:s19], $0x4000  }
0x42: {  	[sflag:s19] =	ssyncset.done $0x0  }
0x43: {  	s21 =	sadd.s32 $0x0, s10;
	[sflag:s19] =	ssyncadd.s32 $0xFFFFC000  }
0x44: {  	[hbm4b:s21+s1] =	stream.linear.scatter [tilespmem:s18], [sflag:$0x2], $0x4000, $0x38;
	[tilespmem:$0x4480] =	vst v63  }
0x45: {  	_ =	swait.ge [sflag:s14], $0x4000  }
0x46: {  	s23 =	simm.s32 $0x800;
	[sflag:s14] =	ssyncset.done $0x0  }
.LBB2_2:
0x47: {  	p0 =	sne.s32 s23, $0x1800;
	[sflag:s14] =	ssyncadd.s32 $0xFFFFC000;
	s22 =	sadd.s32 $0x80, s22  }
0x48: {  	s21 =	smov.u32 s23;
	s23 =	sadd.s32 $0x800, s23;
	v0 =	vld [tilespmem:s22+$0xFFFFFFC0];
	_ =	sdelay $0x4  }
0x49: {  	v1 =	vshra.s32 v0, $0x2  }
0x4a: {  	v0 =	vand.u32 $0xFFF, v0;
	v1 =	vand.u32 $0xFFFFF000, v1  }
0x4b: {  	v0 =	vor.u32 v0, v1  }
0x4c: {  	[tilespmem:$0x400] =	vst v0  }
0x4d: {  	v0 =	vld [tilespmem:s22+$0xFFFFFFD0];
	_ =	sdelay $0x4  }
0x4e: {  	v1 =	vshra.s32 v0, $0x2  }
0x4f: {  	v0 =	vand.u32 $0xFFF, v0;
	v1 =	vand.u32 $0xFFFFF000, v1  }
0x50: {  	v0 =	vor.u32 v0, v1  }
0x51: {  	[tilespmem:$0x410] =	vst v0  }
0x52: {  	v0 =	vld [tilespmem:s22+$0xFFFFFFE0];
	_ =	sdelay $0x4  }
0x53: {  	v1 =	vshra.s32 v0, $0x2  }
0x54: {  	v0 =	vand.u32 $0xFFF, v0;
	v1 =	vand.u32 $0xFFFFF000, v1  }
0x55: {  	v0 =	vor.u32 v0, v1  }
0x56: {  	[tilespmem:$0x420] =	vst v0  }
0x57: {  	v0 =	vld [tilespmem:s22+$0xFFFFFFF0];
	_ =	sdelay $0x4  }
0x58: {  	v1 =	vshra.s32 v0, $0x2  }
0x59: {  	v0 =	vand.u32 $0xFFF, v0;
	v1 =	vand.u32 $0xFFFFF000, v1  }
0x5a: {  	v0 =	vor.u32 v0, v1  }
0x5b: {  	[tilespmem:$0x430] =	vst v0  }
0x5c: {  	v0 =	vld [tilespmem:s22+$0x0];
	_ =	sdelay $0x4  }
0x5d: {  	v1 =	vshra.s32 v0, $0x2  }
0x5e: {  	v0 =	vand.u32 $0xFFF, v0;
	v1 =	vand.u32 $0xFFFFF000, v1  }
0x5f: {  	v0 =	vor.u32 v0, v1  }
0x60: {  	[tilespmem:$0x440] =	vst v0  }
0x61: {  	v0 =	vld [tilespmem:s22+$0x10];
	_ =	sdelay $0x4  }
0x62: {  	v1 =	vshra.s32 v0, $0x2  }
0x63: {  	v0 =	vand.u32 $0xFFF, v0;
	v1 =	vand.u32 $0xFFFFF000, v1  }
0x64: {  	v0 =	vor.u32 v0, v1  }
0x65: {  	[tilespmem:$0x450] =	vst v0  }
0x66: {  	v0 =	vld [tilespmem:s22+$0x20];
	_ =	sdelay $0x4  }
0x67: {  	v1 =	vshra.s32 v0, $0x2  }
0x68: {  	v0 =	vand.u32 $0xFFF, v0;
	v1 =	vand.u32 $0xFFFFF000, v1  }
0x69: {  	v0 =	vor.u32 v0, v1  }
0x6a: {  	[tilespmem:$0x460] =	vst v0  }
0x6b: {  	v0 =	vld [tilespmem:s22+$0x30];
	_ =	sdelay $0x4  }
0x6c: {  	v1 =	vshra.s32 v0, $0x2  }
0x6d: {  	v0 =	vand.u32 $0xFFF, v0;
	v1 =	vand.u32 $0xFFFFF000, v1  }
0x6e: {  	v0 =	vor.u32 v0, v1  }
0x6f: {  	[tilespmem:$0x470] =	vst v0  }
0x70: {  	[tilespmem:s18], [sflag:$0x1] =	stream.indirect.gather [hbm4b:s3+s16], $0x80, s17, s16, $0xb8;
	[tilespmem:$0x4480] =	vst v63  }
0x71: {  	_ =	swait.ge [sflag:s19], $0x4000  }
.Ltmp0:
0x72: {  	[sflag:s19] =	ssyncset.done $0x0;
	(pc) =	sbr.rel @p0 .LBB2_2-.Ltmp0, $4  }
0x73: {  	s24 =	sadd.s32 s21, s10;
	s21 =	simm.s32 $0x0;
	[sflag:s19] =	ssyncadd.s32 $0xFFFFC000  }
0x74: {  	[hbm4b:s24+s21] =	stream.linear.scatter [tilespmem:s18], [sflag:$0x2], $0x4000, $0x38;
	[tilespmem:$0x4480] =	vst v63  }
0x75: {  	_ =	swait.ge [sflag:s14], $0x4000  }
0x76: {  	[sflag:s14] =	ssyncset.done $0x0  }
0x77: {  	[sflag:s14] =	ssyncadd.s32 $0xFFFFC000;
	s22 =	simm.s32 $0x240  }
0x78: {  	v0 =	vld [tilespmem:s22+$0xFFFFFFC0];
	_ =	sdelay $0x4  }
0x79: {  	v1 =	vshra.s32 v0, $0x2  }
0x7a: {  	v0 =	vand.u32 $0xFFF, v0;
	v1 =	vand.u32 $0xFFFFF000, v1  }
0x7b: {  	v0 =	vor.u32 v0, v1  }
0x7c: {  	[tilespmem:$0x400] =	vst v0  }
0x7d: {  	v0 =	vld [tilespmem:s22+$0xFFFFFFD0];
	_ =	sdelay $0x4  }
0x7e: {  	v57 =	vshra.s32 v0, $0x2  }
0x7f: {  	v0 =	vand.u32 $0xFFF, v0;
	v1 =	vand.u32 $0xFFFFF000, v57  }
0x80: {  	v0 =	vor.u32 v0, v1  }
0x81: {  	[tilespmem:$0x410] =	vst v0  }
0x82: {  	v0 =	vld [tilespmem:s22+$0xFFFFFFE0];
	_ =	sdelay $0x4  }
0x83: {  	v58 =	vshra.s32 v0, $0x2  }
0x84: {  	v0 =	vand.u32 $0xFFF, v0;
	v1 =	vand.u32 $0xFFFFF000, v58  }
0x85: {  	v0 =	vor.u32 v0, v1  }
0x86: {  	[tilespmem:$0x420] =	vst v0  }
0x87: {  	v0 =	vld [tilespmem:s22+$0xFFFFFFF0];
	_ =	sdelay $0x4  }
0x88: {  	v59 =	vshra.s32 v0, $0x2  }
0x89: {  	v0 =	vand.u32 $0xFFF, v0;
	v1 =	vand.u32 $0xFFFFF000, v59  }
0x8a: {  	v0 =	vor.u32 v0, v1  }
0x8b: {  	[tilespmem:$0x430] =	vst v0  }
0x8c: {  	v0 =	vld [tilespmem:s22+$0x0];
	_ =	sdelay $0x4  }
0x8d: {  	v60 =	vshra.s32 v0, $0x2  }
0x8e: {  	v0 =	vand.u32 $0xFFF, v0;
	v1 =	vand.u32 $0xFFFFF000, v60  }
0x8f: {  	v0 =	vor.u32 v0, v1  }
0x90: {  	[tilespmem:$0x440] =	vst v0  }
0x91: {  	v0 =	vld [tilespmem:s22+$0x10];
	_ =	sdelay $0x4  }
0x92: {  	v61 =	vshra.s32 v0, $0x2  }
0x93: {  	v0 =	vand.u32 $0xFFF, v0;
	v1 =	vand.u32 $0xFFFFF000, v61  }
0x94: {  	v0 =	vor.u32 v0, v1  }
0x95: {  	[tilespmem:$0x450] =	vst v0  }
0x96: {  	v0 =	vld [tilespmem:s22+$0x20];
	_ =	sdelay $0x4  }
0x97: {  	v62 =	vshra.s32 v0, $0x2  }
0x98: {  	v0 =	vand.u32 $0xFFF, v0;
	v1 =	vand.u32 $0xFFFFF000, v62  }
0x99: {  	v0 =	vor.u32 v0, v1  }
0x9a: {  	[tilespmem:$0x460] =	vst v0  }
0x9b: {  	v0 =	vld [tilespmem:s22+$0x30];
	_ =	sdelay $0x4  }
0x9c: {  	v63 =	vshra.s32 v0, $0x2  }
0x9d: {  	v0 =	vand.u32 $0xFFF, v0;
	v1 =	vand.u32 $0xFFFFF000, v63  }
0x9e: {  	v0 =	vor.u32 v0, v1  }
0x9f: {  	[tilespmem:$0x470] =	vst v0  }
0xa0: {  	[tilespmem:s18], [sflag:$0x1] =	stream.indirect.gather [hbm4b:s4+s16], $0x80, s17, s16, $0xb8;
	[tilespmem:$0x4480] =	vst v63  }
0xa1: {  	_ =	swait.ge [sflag:s19], $0x4000  }
0xa2: {  	[sflag:s19] =	ssyncset.done $0x0  }
0xa3: {  	s23 =	sadd.s32 $0x0, s11;
	[sflag:s19] =	ssyncadd.s32 $0xFFFFC000  }
0xa4: {  	[hbm4b:s23+s21] =	stream.linear.scatter [tilespmem:s18], [sflag:$0x2], $0x4000, $0x38;
	[tilespmem:$0x4480] =	vst v63  }
0xa5: {  	_ =	swait.ge [sflag:s14], $0x4000  }
0xa6: {  	s23 =	simm.s32 $0x800;
	[sflag:s14] =	ssyncset.done $0x0  }
.LBB2_4:
0xa7: {  	p0 =	sne.s32 s23, $0x1800;
	[sflag:s14] =	ssyncadd.s32 $0xFFFFC000;
	s22 =	sadd.s32 $0x80, s22  }
0xa8: {  	s24 =	smov.u32 s23;
	s23 =	sadd.s32 $0x800, s23;
	v0 =	vld [tilespmem:s22+$0xFFFFFFC0];
	_ =	sdelay $0x4  }
0xa9: {  	v1 =	vshra.s32 v0, $0x2  }
0xaa: {  	v0 =	vand.u32 $0xFFF, v0;
	v1 =	vand.u32 $0xFFFFF000, v1  }
0xab: {  	v0 =	vor.u32 v0, v1  }
0xac: {  	[tilespmem:$0x400] =	vst v0  }
0xad: {  	v0 =	vld [tilespmem:s22+$0xFFFFFFD0];
	_ =	sdelay $0x4  }
0xae: {  	v1 =	vshra.s32 v0, $0x2  }
0xaf: {  	v0 =	vand.u32 $0xFFF, v0;
	v1 =	vand.u32 $0xFFFFF000, v1  }
0xb0: {  	v0 =	vor.u32 v0, v1  }
0xb1: {  	[tilespmem:$0x410] =	vst v0  }
0xb2: {  	v0 =	vld [tilespmem:s22+$0xFFFFFFE0];
	_ =	sdelay $0x4  }
0xb3: {  	v1 =	vshra.s32 v0, $0x2  }
0xb4: {  	v0 =	vand.u32 $0xFFF, v0;
	v1 =	vand.u32 $0xFFFFF000, v1  }
0xb5: {  	v0 =	vor.u32 v0, v1  }
0xb6: {  	[tilespmem:$0x420] =	vst v0  }
0xb7: {  	v0 =	vld [tilespmem:s22+$0xFFFFFFF0];
	_ =	sdelay $0x4  }
0xb8: {  	v1 =	vshra.s32 v0, $0x2  }
0xb9: {  	v0 =	vand.u32 $0xFFF, v0;
	v1 =	vand.u32 $0xFFFFF000, v1  }
0xba: {  	v0 =	vor.u32 v0, v1  }
0xbb: {  	[tilespmem:$0x430] =	vst v0  }
0xbc: {  	v0 =	vld [tilespmem:s22+$0x0];
	_ =	sdelay $0x4  }
0xbd: {  	v1 =	vshra.s32 v0, $0x2  }
0xbe: {  	v0 =	vand.u32 $0xFFF, v0;
	v1 =	vand.u32 $0xFFFFF000, v1  }
0xbf: {  	v0 =	vor.u32 v0, v1  }
0xc0: {  	[tilespmem:$0x440] =	vst v0  }
0xc1: {  	v0 =	vld [tilespmem:s22+$0x10];
	_ =	sdelay $0x4  }
0xc2: {  	v1 =	vshra.s32 v0, $0x2  }
0xc3: {  	v0 =	vand.u32 $0xFFF, v0;
	v1 =	vand.u32 $0xFFFFF000, v1  }
0xc4: {  	v0 =	vor.u32 v0, v1  }
0xc5: {  	[tilespmem:$0x450] =	vst v0  }
0xc6: {  	v0 =	vld [tilespmem:s22+$0x20];
	_ =	sdelay $0x4  }
0xc7: {  	v1 =	vshra.s32 v0, $0x2  }
0xc8: {  	v0 =	vand.u32 $0xFFF, v0;
	v1 =	vand.u32 $0xFFFFF000, v1  }
0xc9: {  	v0 =	vor.u32 v0, v1  }
0xca: {  	[tilespmem:$0x460] =	vst v0  }
0xcb: {  	v0 =	vld [tilespmem:s22+$0x30];
	_ =	sdelay $0x4  }
0xcc: {  	v1 =	vshra.s32 v0, $0x2  }
0xcd: {  	v0 =	vand.u32 $0xFFF, v0;
	v1 =	vand.u32 $0xFFFFF000, v1  }
0xce: {  	v0 =	vor.u32 v0, v1  }
0xcf: {  	[tilespmem:$0x470] =	vst v0  }
0xd0: {  	[tilespmem:s18], [sflag:$0x1] =	stream.indirect.gather [hbm4b:s4+s16], $0x80, s17, s16, $0xb8;
	[tilespmem:$0x4480] =	vst v63  }
0xd1: {  	_ =	swait.ge [sflag:s19], $0x4000  }
.Ltmp1:
0xd2: {  	[sflag:s19] =	ssyncset.done $0x0;
	(pc) =	sbr.rel @p0 .LBB2_4-.Ltmp1, $4  }
0xd3: {  	s24 =	sadd.s32 s24, s11;
	[sflag:s19] =	ssyncadd.s32 $0xFFFFC000  }
0xd4: {  	[hbm4b:s24+s21] =	stream.linear.scatter [tilespmem:s18], [sflag:$0x2], $0x4000, $0x38;
	[tilespmem:$0x4480] =	vst v63  }
0xd5: {  	_ =	swait.ge [sflag:s14], $0x4000  }
0xd6: {  	[sflag:s14] =	ssyncset.done $0x0  }
0xd7: {  	[sflag:s14] =	ssyncadd.s32 $0xFFFFC000;
	s21 =	simm.s32 $0x40  }
0xd8: {  	v0 =	vld [tilespmem:s21+$0xFFFFFFC0];
	_ =	sdelay $0x4  }
0xd9: {  	v1 =	vshra.s32 v0, $0x2  }
0xda: {  	v0 =	vand.u32 $0xFFF, v0;
	v1 =	vand.u32 $0xFFFFF000, v1  }
0xdb: {  	v0 =	vor.u32 v0, v1  }
0xdc: {  	[tilespmem:$0x400] =	vst v0  }
0xdd: {  	v0 =	vld [tilespmem:s21+$0xFFFFFFD0];
	_ =	sdelay $0x4  }
0xde: {  	v57 =	vshra.s32 v0, $0x2  }
0xdf: {  	v0 =	vand.u32 $0xFFF, v0;
	v1 =	vand.u32 $0xFFFFF000, v57  }
0xe0: {  	v0 =	vor.u32 v0, v1  }
0xe1: {  	[tilespmem:$0x410] =	vst v0  }
0xe2: {  	v0 =	vld [tilespmem:s21+$0xFFFFFFE0];
	_ =	sdelay $0x4  }
0xe3: {  	v58 =	vshra.s32 v0, $0x2  }
0xe4: {  	v0 =	vand.u32 $0xFFF, v0;
	v1 =	vand.u32 $0xFFFFF000, v58  }
0xe5: {  	v0 =	vor.u32 v0, v1  }
0xe6: {  	[tilespmem:$0x420] =	vst v0  }
0xe7: {  	v0 =	vld [tilespmem:s21+$0xFFFFFFF0];
	_ =	sdelay $0x4  }
0xe8: {  	v59 =	vshra.s32 v0, $0x2  }
0xe9: {  	v0 =	vand.u32 $0xFFF, v0;
	v1 =	vand.u32 $0xFFFFF000, v59  }
0xea: {  	v0 =	vor.u32 v0, v1  }
0xeb: {  	[tilespmem:$0x430] =	vst v0  }
0xec: {  	v0 =	vld [tilespmem:s21+$0x0];
	_ =	sdelay $0x4  }
0xed: {  	v60 =	vshra.s32 v0, $0x2  }
0xee: {  	v0 =	vand.u32 $0xFFF, v0;
	v1 =	vand.u32 $0xFFFFF000, v60  }
0xef: {  	v0 =	vor.u32 v0, v1  }
0xf0: {  	[tilespmem:$0x440] =	vst v0  }
0xf1: {  	v0 =	vld [tilespmem:s21+$0x10];
	_ =	sdelay $0x4  }
0xf2: {  	v61 =	vshra.s32 v0, $0x2  }
0xf3: {  	v0 =	vand.u32 $0xFFF, v0;
	v1 =	vand.u32 $0xFFFFF000, v61  }
0xf4: {  	v0 =	vor.u32 v0, v1  }
0xf5: {  	[tilespmem:$0x450] =	vst v0  }
0xf6: {  	v0 =	vld [tilespmem:s21+$0x20];
	_ =	sdelay $0x4  }
0xf7: {  	v62 =	vshra.s32 v0, $0x2  }
0xf8: {  	v0 =	vand.u32 $0xFFF, v0;
	v1 =	vand.u32 $0xFFFFF000, v62  }
0xf9: {  	v0 =	vor.u32 v0, v1  }
0xfa: {  	[tilespmem:$0x460] =	vst v0  }
0xfb: {  	v0 =	vld [tilespmem:s21+$0x30];
	_ =	sdelay $0x4  }
0xfc: {  	v63 =	vshra.s32 v0, $0x2  }
0xfd: {  	v0 =	vand.u32 $0xFFF, v0;
	v1 =	vand.u32 $0xFFFFF000, v63  }
0xfe: {  	v0 =	vor.u32 v0, v1  }
0xff: {  	[tilespmem:$0x470] =	vst v0  }
0x100: {  	[tilespmem:s18], [sflag:$0x1] =	stream.indirect.gather [hbm4b:s5+s16], $0x80, s17, s16, $0xb8;
	[tilespmem:$0x4480] =	vst v63  }
0x101: {  	_ =	swait.ge [sflag:s19], $0x4000  }
0x102: {  	[sflag:s19] =	ssyncset.done $0x0  }
0x103: {  	s23 =	sadd.s32 $0x0, s12;
	s22 =	simm.s32 $0x0;
	[sflag:s19] =	ssyncadd.s32 $0xFFFFC000  }
0x104: {  	[hbm4b:s23+s22] =	stream.linear.scatter [tilespmem:s18], [sflag:$0x2], $0x4000, $0x38;
	[tilespmem:$0x4480] =	vst v63  }
0x105: {  	_ =	swait.ge [sflag:s14], $0x4000  }
0x106: {  	s23 =	simm.s32 $0x800;
	[sflag:s14] =	ssyncset.done $0x0  }
.LBB2_6:
0x107: {  	p0 =	sne.s32 s23, $0x1800;
	[sflag:s14] =	ssyncadd.s32 $0xFFFFC000;
	s21 =	sadd.s32 $0x80, s21  }
0x108: {  	s24 =	smov.u32 s23;
	s23 =	sadd.s32 $0x800, s23;
	v0 =	vld [tilespmem:s21+$0xFFFFFFC0];
	_ =	sdelay $0x4  }
0x109: {  	v1 =	vshra.s32 v0, $0x2  }
0x10a: {  	v0 =	vand.u32 $0xFFF, v0;
	v1 =	vand.u32 $0xFFFFF000, v1  }
0x10b: {  	v0 =	vor.u32 v0, v1  }
0x10c: {  	[tilespmem:$0x400] =	vst v0  }
0x10d: {  	v0 =	vld [tilespmem:s21+$0xFFFFFFD0];
	_ =	sdelay $0x4  }
0x10e: {  	v1 =	vshra.s32 v0, $0x2  }
0x10f: {  	v0 =	vand.u32 $0xFFF, v0;
	v1 =	vand.u32 $0xFFFFF000, v1  }
0x110: {  	v0 =	vor.u32 v0, v1  }
0x111: {  	[tilespmem:$0x410] =	vst v0  }
0x112: {  	v0 =	vld [tilespmem:s21+$0xFFFFFFE0];
	_ =	sdelay $0x4  }
0x113: {  	v1 =	vshra.s32 v0, $0x2  }
0x114: {  	v0 =	vand.u32 $0xFFF, v0;
	v1 =	vand.u32 $0xFFFFF000, v1  }
0x115: {  	v0 =	vor.u32 v0, v1  }
0x116: {  	[tilespmem:$0x420] =	vst v0  }
0x117: {  	v0 =	vld [tilespmem:s21+$0xFFFFFFF0];
	_ =	sdelay $0x4  }
0x118: {  	v1 =	vshra.s32 v0, $0x2  }
0x119: {  	v0 =	vand.u32 $0xFFF, v0;
	v1 =	vand.u32 $0xFFFFF000, v1  }
0x11a: {  	v0 =	vor.u32 v0, v1  }
0x11b: {  	[tilespmem:$0x430] =	vst v0  }
0x11c: {  	v0 =	vld [tilespmem:s21+$0x0];
	_ =	sdelay $0x4  }
0x11d: {  	v1 =	vshra.s32 v0, $0x2  }
0x11e: {  	v0 =	vand.u32 $0xFFF, v0;
	v1 =	vand.u32 $0xFFFFF000, v1  }
0x11f: {  	v0 =	vor.u32 v0, v1  }
0x120: {  	[tilespmem:$0x440] =	vst v0  }
0x121: {  	v0 =	vld [tilespmem:s21+$0x10];
	_ =	sdelay $0x4  }
0x122: {  	v1 =	vshra.s32 v0, $0x2  }
0x123: {  	v0 =	vand.u32 $0xFFF, v0;
	v1 =	vand.u32 $0xFFFFF000, v1  }
0x124: {  	v0 =	vor.u32 v0, v1  }
0x125: {  	[tilespmem:$0x450] =	vst v0  }
0x126: {  	v0 =	vld [tilespmem:s21+$0x20];
	_ =	sdelay $0x4  }
0x127: {  	v1 =	vshra.s32 v0, $0x2  }
0x128: {  	v0 =	vand.u32 $0xFFF, v0;
	v1 =	vand.u32 $0xFFFFF000, v1  }
0x129: {  	v0 =	vor.u32 v0, v1  }
0x12a: {  	[tilespmem:$0x460] =	vst v0  }
0x12b: {  	v0 =	vld [tilespmem:s21+$0x30];
	_ =	sdelay $0x4  }
0x12c: {  	v1 =	vshra.s32 v0, $0x2  }
0x12d: {  	v0 =	vand.u32 $0xFFF, v0;
	v1 =	vand.u32 $0xFFFFF000, v1  }
0x12e: {  	v0 =	vor.u32 v0, v1  }
0x12f: {  	[tilespmem:$0x470] =	vst v0  }
0x130: {  	[tilespmem:s18], [sflag:$0x1] =	stream.indirect.gather [hbm4b:s5+s16], $0x80, s17, s16, $0xb8;
	[tilespmem:$0x4480] =	vst v63  }
0x131: {  	_ =	swait.ge [sflag:s19], $0x4000  }
.Ltmp2:
0x132: {  	[sflag:s19] =	ssyncset.done $0x0;
	(pc) =	sbr.rel @p0 .LBB2_6-.Ltmp2, $4  }
0x133: {  	s24 =	sadd.s32 s24, s12;
	[sflag:s19] =	ssyncadd.s32 $0xFFFFC000  }
0x134: {  	[hbm4b:s24+s22] =	stream.linear.scatter [tilespmem:s18], [sflag:$0x2], $0x4000, $0x38;
	[tilespmem:$0x4480] =	vst v63  }
0x135: {  	_ =	swait.ge [sflag:s14], $0x4000  }
0x136: {  	[sflag:s14] =	ssyncset.done $0x0  }
0x137: {  	[sflag:s14] =	ssyncadd.s32 $0xFFFFC000;
	s21 =	simm.s32 $0x240  }
0x138: {  	v0 =	vld [tilespmem:s21+$0xFFFFFFC0];
	_ =	sdelay $0x4  }
0x139: {  	v1 =	vshra.s32 v0, $0x2  }
0x13a: {  	v0 =	vand.u32 $0xFFF, v0;
	v1 =	vand.u32 $0xFFFFF000, v1  }
0x13b: {  	v0 =	vor.u32 v0, v1  }
0x13c: {  	[tilespmem:$0x400] =	vst v0  }
0x13d: {  	v0 =	vld [tilespmem:s21+$0xFFFFFFD0];
	_ =	sdelay $0x4  }
0x13e: {  	v57 =	vshra.s32 v0, $0x2  }
0x13f: {  	v0 =	vand.u32 $0xFFF, v0;
	v1 =	vand.u32 $0xFFFFF000, v57  }
0x140: {  	v0 =	vor.u32 v0, v1  }
0x141: {  	[tilespmem:$0x410] =	vst v0  }
0x142: {  	v0 =	vld [tilespmem:s21+$0xFFFFFFE0];
	_ =	sdelay $0x4  }
0x143: {  	v58 =	vshra.s32 v0, $0x2  }
0x144: {  	v0 =	vand.u32 $0xFFF, v0;
	v1 =	vand.u32 $0xFFFFF000, v58  }
0x145: {  	v0 =	vor.u32 v0, v1  }
0x146: {  	[tilespmem:$0x420] =	vst v0  }
0x147: {  	v0 =	vld [tilespmem:s21+$0xFFFFFFF0];
	_ =	sdelay $0x4  }
0x148: {  	v59 =	vshra.s32 v0, $0x2  }
0x149: {  	v0 =	vand.u32 $0xFFF, v0;
	v1 =	vand.u32 $0xFFFFF000, v59  }
0x14a: {  	v0 =	vor.u32 v0, v1  }
0x14b: {  	[tilespmem:$0x430] =	vst v0  }
0x14c: {  	v0 =	vld [tilespmem:s21+$0x0];
	_ =	sdelay $0x4  }
0x14d: {  	v60 =	vshra.s32 v0, $0x2  }
0x14e: {  	v0 =	vand.u32 $0xFFF, v0;
	v1 =	vand.u32 $0xFFFFF000, v60  }
0x14f: {  	v0 =	vor.u32 v0, v1  }
0x150: {  	[tilespmem:$0x440] =	vst v0  }
0x151: {  	v0 =	vld [tilespmem:s21+$0x10];
	_ =	sdelay $0x4  }
0x152: {  	v61 =	vshra.s32 v0, $0x2  }
0x153: {  	v0 =	vand.u32 $0xFFF, v0;
	v1 =	vand.u32 $0xFFFFF000, v61  }
0x154: {  	v0 =	vor.u32 v0, v1  }
0x155: {  	[tilespmem:$0x450] =	vst v0  }
0x156: {  	v0 =	vld [tilespmem:s21+$0x20];
	_ =	sdelay $0x4  }
0x157: {  	v62 =	vshra.s32 v0, $0x2  }
0x158: {  	v0 =	vand.u32 $0xFFF, v0;
	v1 =	vand.u32 $0xFFFFF000, v62  }
0x159: {  	v0 =	vor.u32 v0, v1  }
0x15a: {  	[tilespmem:$0x460] =	vst v0  }
0x15b: {  	v0 =	vld [tilespmem:s21+$0x30];
	_ =	sdelay $0x4  }
0x15c: {  	v63 =	vshra.s32 v0, $0x2  }
0x15d: {  	v0 =	vand.u32 $0xFFF, v0;
	v1 =	vand.u32 $0xFFFFF000, v63  }
0x15e: {  	v0 =	vor.u32 v0, v1  }
0x15f: {  	[tilespmem:$0x470] =	vst v0  }
0x160: {  	[tilespmem:s18], [sflag:$0x1] =	stream.indirect.gather [hbm4b:s6+s16], $0x80, s17, s16, $0xb8;
	[tilespmem:$0x4480] =	vst v63  }
0x161: {  	_ =	swait.ge [sflag:s19], $0x4000  }
0x162: {  	[sflag:s19] =	ssyncset.done $0x0  }
0x163: {  	s22 =	sadd.s32 $0x0, s13;
	[sflag:s19] =	ssyncadd.s32 $0xFFFFC000  }
0x164: {  	[hbm4b:s22+s1] =	stream.linear.scatter [tilespmem:s18], [sflag:$0x2], $0x4000, $0x38;
	[tilespmem:$0x4480] =	vst v63  }
0x165: {  	_ =	swait.ge [sflag:s14], $0x4000  }
0x166: {  	s22 =	simm.s32 $0x800;
	[sflag:s14] =	ssyncset.done $0x0  }
.LBB2_8:
0x167: {  	p0 =	sne.s32 s22, $0x1800;
	[sflag:s14] =	ssyncadd.s32 $0xFFFFC000;
	s21 =	sadd.s32 $0x80, s21  }
0x168: {  	s23 =	smov.u32 s22;
	s22 =	sadd.s32 $0x800, s22;
	v0 =	vld [tilespmem:s21+$0xFFFFFFC0];
	_ =	sdelay $0x4  }
0x169: {  	v1 =	vshra.s32 v0, $0x2  }
0x16a: {  	v0 =	vand.u32 $0xFFF, v0;
	v1 =	vand.u32 $0xFFFFF000, v1  }
0x16b: {  	v0 =	vor.u32 v0, v1  }
0x16c: {  	[tilespmem:$0x400] =	vst v0  }
0x16d: {  	v0 =	vld [tilespmem:s21+$0xFFFFFFD0];
	_ =	sdelay $0x4  }
0x16e: {  	v1 =	vshra.s32 v0, $0x2  }
0x16f: {  	v0 =	vand.u32 $0xFFF, v0;
	v1 =	vand.u32 $0xFFFFF000, v1  }
0x170: {  	v0 =	vor.u32 v0, v1  }
0x171: {  	[tilespmem:$0x410] =	vst v0  }
0x172: {  	v0 =	vld [tilespmem:s21+$0xFFFFFFE0];
	_ =	sdelay $0x4  }
0x173: {  	v1 =	vshra.s32 v0, $0x2  }
0x174: {  	v0 =	vand.u32 $0xFFF, v0;
	v1 =	vand.u32 $0xFFFFF000, v1  }
0x175: {  	v0 =	vor.u32 v0, v1  }
0x176: {  	[tilespmem:$0x420] =	vst v0  }
0x177: {  	v0 =	vld [tilespmem:s21+$0xFFFFFFF0];
	_ =	sdelay $0x4  }
0x178: {  	v1 =	vshra.s32 v0, $0x2  }
0x179: {  	v0 =	vand.u32 $0xFFF, v0;
	v1 =	vand.u32 $0xFFFFF000, v1  }
0x17a: {  	v0 =	vor.u32 v0, v1  }
0x17b: {  	[tilespmem:$0x430] =	vst v0  }
0x17c: {  	v0 =	vld [tilespmem:s21+$0x0];
	_ =	sdelay $0x4  }
0x17d: {  	v1 =	vshra.s32 v0, $0x2  }
0x17e: {  	v0 =	vand.u32 $0xFFF, v0;
	v1 =	vand.u32 $0xFFFFF000, v1  }
0x17f: {  	v0 =	vor.u32 v0, v1  }
0x180: {  	[tilespmem:$0x440] =	vst v0  }
0x181: {  	v0 =	vld [tilespmem:s21+$0x10];
	_ =	sdelay $0x4  }
0x182: {  	v1 =	vshra.s32 v0, $0x2  }
0x183: {  	v0 =	vand.u32 $0xFFF, v0;
	v1 =	vand.u32 $0xFFFFF000, v1  }
0x184: {  	v0 =	vor.u32 v0, v1  }
0x185: {  	[tilespmem:$0x450] =	vst v0  }
0x186: {  	v0 =	vld [tilespmem:s21+$0x20];
	_ =	sdelay $0x4  }
0x187: {  	v1 =	vshra.s32 v0, $0x2  }
0x188: {  	v0 =	vand.u32 $0xFFF, v0;
	v1 =	vand.u32 $0xFFFFF000, v1  }
0x189: {  	v0 =	vor.u32 v0, v1  }
0x18a: {  	[tilespmem:$0x460] =	vst v0  }
0x18b: {  	v0 =	vld [tilespmem:s21+$0x30];
	_ =	sdelay $0x4  }
0x18c: {  	v1 =	vshra.s32 v0, $0x2  }
0x18d: {  	v0 =	vand.u32 $0xFFF, v0;
	v1 =	vand.u32 $0xFFFFF000, v1  }
0x18e: {  	v0 =	vor.u32 v0, v1  }
0x18f: {  	[tilespmem:$0x470] =	vst v0  }
0x190: {  	[tilespmem:s18], [sflag:$0x1] =	stream.indirect.gather [hbm4b:s6+s16], $0x80, s17, s16, $0xb8;
	[tilespmem:$0x4480] =	vst v63  }
0x191: {  	_ =	swait.ge [sflag:s19], $0x4000  }
.Ltmp3:
0x192: {  	[sflag:s19] =	ssyncset.done $0x0;
	(pc) =	sbr.rel @p0 .LBB2_8-.Ltmp3, $4  }
0x193: {  	s23 =	sadd.s32 s23, s13;
	[sflag:s19] =	ssyncadd.s32 $0xFFFFC000  }
0x194: {  	[hbm4b:s23+s1] =	stream.linear.scatter [tilespmem:s18], [sflag:$0x2], $0x4000, $0x38;
	[tilespmem:$0x4480] =	vst v63  }
0x195: {  	_ =	swait.ge [sflag:s14], $0x4000  }
0x196: {  	[sflag:s14] =	ssyncset.done $0x0  }
0x197: {  	s20 =	sadd.s32 $0x1, s20  }
0x198: {  	p0 =	sne.s32 s20, s9  }
.Ltmp4:
0x199: {  	_ = 	snop;
	(pc) =	sbr.rel @p0 .LBB2_1-.Ltmp4, $2  }
0x19a: {  	_ =	sdelay $0x2  }
0x19b: {  	[sflag:s14] =	ssyncadd.s32 $0xFFFFC000  }
0x19c: {  	_ =	sfence.sel $0x180000  }
0x19d: {  	[bflag:$0x0] =	sbarrier.arrive $0xFFFF  }
0x19e: {  	p0 =	sne.s32 s2, $0x0;
	_ =	strace $0x90000047  }
0x19f: {  	s0 =	sadd.s32 @!p0 $0x100000, s0;
	[bflag:$0x2] =	sbarrier.arrive $0xFFFF  }
0x1a0: {  	[sflag:s0] =	ssyncadd.tile.s32 @!p0 $0x1;
	_ =	shalt  }
.Lfunc_end2:
_tile_overlayer_lowered:
.L_overlay_start_2:
0x1a1: {  	(tag) =	ssettag $0x2  }
0x1a2: {  	s0 =	rddreg [dreg:$0x0];
	s2 =	stileid.u32  }
0x1a3: {  	s1 =	rddreg [dreg:$0x1];
	p0 =	sne.s32 s2, $0x0  }
0x1a4: {  	s3 =	rddreg [dreg:$0x2];
	[bflag:$0x3] =	sbarrier.arrive $0xFFFF;
	s2 =	simm.s32 @!p0 $0x1C02  }
0x1a5: {  	[timem:s3], [sflag:s2] =	dma.local @!p0 [hbm:s0], s1  }
0x1a6: {  	s0 =	simm.s32 @!p0 $0x2  }
0x1a7: {  	_ =	swait.ge @!p0 [sflag:s0], s1  }
0x1a8: {  	s1 =	ssub.s32 @!p0 $0x0, s1;
	[sflag:s0] =	ssyncset.done @!p0 $0x0  }
0x1a9: {  	[sflag:s0] =	ssyncadd.s32 @!p0 s1  }
0x1aa: {  	[bflag:$0x3] =	sbarrier.arrive $0xFFFF  }
0x1ab: {  	_ =	shalt  }

</sc_bundles>
